<compile_context>
chip_gen: v7x
topology: tpu7x:2x2x1
jax: 0.10.2.dev20260603
libtpu: 0.0.44.dev20260713+nightly
codegen_flags: <defaults>
</compile_context>

<pallas_src>
import functools

import jax
import jax.numpy as jnp
from jax import lax
from jax.experimental import pallas as pl
from jax.experimental.pallas import tpu as pltpu
from jax.experimental.pallas import tpu_sc as plsc

_NW = 32
_NB = 8
_NF = 5


@functools.lru_cache(maxsize=None)
def _make_gather(b: int, l: int, vocab: int, embed: int):
    bpw = b // _NW
    l_splits = []
    off = 0
    while off < l:
        n = min(128, l - off)
        l_splits.append((off, n))
        off += n
    assert all(o % 8 == 0 for o, _ in l_splits)
    assert b % _NW == 0 and bpw % _NB == 0

    mesh = plsc.VectorSubcoreMesh(core_axis_name="c", subcore_axis_name="s")

    @functools.partial(
        pl.kernel,
        out_type=jax.ShapeDtypeStruct((b, l, embed), jnp.float32),
        mesh=mesh,
        scratch_types=[
            pltpu.VMEM((bpw, l), jnp.int32),
            pltpu.VMEM((_NB, l, embed), jnp.float32),
        ]
        + [pltpu.SemaphoreType.DMA] * (2 * _NB),
        compiler_params=pltpu.CompilerParams(use_tc_tiling_on_sc=False),
    )
    def grab(table_hbm, idx_hbm, out_hbm, idx_v, rows_v, *sems):
        g_sem = sems[:_NB]
        o_sem = sems[_NB:]
        wid = lax.axis_index("s") * 2 + lax.axis_index("c")
        base = wid * bpw
        pltpu.sync_copy(idx_hbm.at[pl.ds(base, bpw)], idx_v)

        def start_gather(bi, slot):
            for off, n in l_splits:
                pltpu.async_copy(
                    table_hbm.at[idx_v.at[bi, pl.ds(off, n)]],
                    rows_v.at[slot, pl.ds(off, n)],
                    g_sem[slot],
                )

        def wait_gather(slot):
            pltpu.make_async_copy(
                table_hbm.at[idx_v.at[0]], rows_v.at[slot], g_sem[slot]
            ).wait()

        for s in range(_NF):
            start_gather(s, s)

        def body(grp, _):
            for s in range(_NB):
                bi = grp * _NB + s
                t = (s + _NF) % _NB

                @pl.when(bi + _NF < bpw)
                def _():
                    @pl.when(bi + _NF >= _NB)
                    def _():
                        pltpu.make_async_copy(
                            rows_v.at[t], out_hbm.at[base], o_sem[t]
                        ).wait()

                    start_gather(bi + _NF, t)

                wait_gather(s)
                pltpu.async_copy(
                    rows_v.at[s], out_hbm.at[base + bi], o_sem[s]
                )
            return 0

        lax.fori_loop(0, bpw // _NB, body, 0)

        for s in range(_NB):
            pltpu.make_async_copy(
                rows_v.at[s], out_hbm.at[base], o_sem[s]
            ).wait()

    return grab


def kernel(input, voc_emb_weight):
    b, l = input.shape
    vocab, embed = voc_emb_weight.shape
    grab = _make_gather(b, l, vocab, embed)
    return grab(voc_emb_weight, input.astype(jnp.int32))

# --- scband reference (transcript-rebuilt; emitter-appended) ---
"""Pipeline reference for scband-word-embedding-38989713113739 (READ-ONLY COPY).

The authoritative reference and input builder live on the scoring server;
editing this copy changes nothing except your own understanding.
"""

import jax, jax.numpy as jnp
import numpy as np

VOCAB = 1000000
EMBED = 64
B = 4096
L = 200

def setup_inputs(seed: int = 0) -> dict:
    key = jax.random.key(seed)
    k_idx, k_tab = jax.random.split(key)
    input = jax.random.randint(k_idx, (B, L), 0, VOCAB, dtype=jnp.int64 if jax.config.read('jax_enable_x64') else jnp.int32)
    # Embedding table, initialized like nn.Embedding (N(0,1))
    voc_emb_weight = jax.random.normal(k_tab, (VOCAB, EMBED), dtype=jnp.float32)
    return {"input": input, "voc_emb_weight": voc_emb_weight}

def reference(input, voc_emb_weight):
    # nn.Embedding lookup; dropout p=0.0 is identity (and eval-mode no-op)
    output = jnp.take(voc_emb_weight, input, axis=0)
    return output

if __name__ == "__main__":
    import jax
    _d = setup_inputs()
    print(jax.jit(kernel)(*tuple(_d.values())))

</pallas_src>

<mosaic_0001>
#map = affine_map<(d0, d1) -> (0, 0)>
#map1 = affine_map<(d0, d1) -> (0, 0, 0)>
module attributes {stable_mosaic.version = 14 : i64} {
  func.func @grab(%arg0: i32, %arg1: i32, %arg2: memref<1000000x64xf32, #tpu.memory_space<hbm>>, %arg3: memref<4096x200xi32, #tpu.memory_space<hbm>>, %arg4: memref<4096x200x64xf32, #tpu.memory_space<hbm>>, %arg5: memref<128x200xi32, #tpu.memory_space<vmem>>, %arg6: memref<8x200x64xf32, #tpu.memory_space<vmem>>, %arg7: memref<!tpu.dma_semaphore, #tpu.memory_space<semaphore_mem>>, %arg8: memref<!tpu.dma_semaphore, #tpu.memory_space<semaphore_mem>>, %arg9: memref<!tpu.dma_semaphore, #tpu.memory_space<semaphore_mem>>, %arg10: memref<!tpu.dma_semaphore, #tpu.memory_space<semaphore_mem>>, %arg11: memref<!tpu.dma_semaphore, #tpu.memory_space<semaphore_mem>>, %arg12: memref<!tpu.dma_semaphore, #tpu.memory_space<semaphore_mem>>, %arg13: memref<!tpu.dma_semaphore, #tpu.memory_space<semaphore_mem>>, %arg14: memref<!tpu.dma_semaphore, #tpu.memory_space<semaphore_mem>>, %arg15: memref<!tpu.dma_semaphore, #tpu.memory_space<semaphore_mem>>, %arg16: memref<!tpu.dma_semaphore, #tpu.memory_space<semaphore_mem>>, %arg17: memref<!tpu.dma_semaphore, #tpu.memory_space<semaphore_mem>>, %arg18: memref<!tpu.dma_semaphore, #tpu.memory_space<semaphore_mem>>, %arg19: memref<!tpu.dma_semaphore, #tpu.memory_space<semaphore_mem>>, %arg20: memref<!tpu.dma_semaphore, #tpu.memory_space<semaphore_mem>>, %arg21: memref<!tpu.dma_semaphore, #tpu.memory_space<semaphore_mem>>, %arg22: memref<!tpu.dma_semaphore, #tpu.memory_space<semaphore_mem>>) attributes {dimension_semantics = [#tpu.dimension_semantics<core_parallel>, #tpu.dimension_semantics<subcore_parallel>], iteration_bounds = array<i64: 2, 16>, scalar_prefetch = 0 : i64, scratch_operands = 18 : i64, tpu.core_type = #tpu.core_type<sc_vector_subcore>, window_params = [{transform_indices = #map}, {transform_indices = #map}, {transform_indices = #map1}]} {
    %mul3A = arith.constant 2 : i32
    %mul3A_0 = arith.muli %arg1, %mul3A : i32
    %add3A = arith.addi %mul3A_0, %arg0 : i32
    %mul3A_1 = arith.constant 128 : i32
    %mul3A_2 = arith.muli %add3A, %mul3A_1 : i32
    "tpu.region"() ({
      %run_scoped3A = tpu.sem_alloc : memref<!tpu.dma_semaphore, #tpu.memory_space<semaphore_mem>>
      %dma_start3A_263 = arith.constant 0 : i32
      %dma_start3A_264 = tpu.memref_slice %arg3[%mul3A_2, %dma_start3A_263] : memref<4096x200xi32, #tpu.memory_space<hbm>> -> memref<128x200xi32, #tpu.memory_space<hbm>>
      %dma_start3A_265 = arith.constant 0 : i32
      %dma_start3A_266 = tpu.memref_slice %arg3[%mul3A_2, %dma_start3A_265] : memref<4096x200xi32, #tpu.memory_space<hbm>> -> memref<128x200xi32, #tpu.memory_space<hbm>>
      tpu.enqueue_dma source(%dma_start3A_266 : memref<128x200xi32, #tpu.memory_space<hbm>>) target(%arg5 : memref<128x200xi32, #tpu.memory_space<vmem>>) target_semaphore(%run_scoped3A : memref<!tpu.dma_semaphore, #tpu.memory_space<semaphore_mem>>)
      %dma_wait3A_267 = arith.constant 0 : i32
      %dma_wait3A_268 = tpu.memref_slice %arg3[%mul3A_2, %dma_wait3A_267] : memref<4096x200xi32, #tpu.memory_space<hbm>> -> memref<128x200xi32, #tpu.memory_space<hbm>>
      %dma_wait3A_269 = arith.constant 0 : i32
      %dma_wait3A_270 = tpu.memref_slice %arg3[%mul3A_2, %dma_wait3A_269] : memref<4096x200xi32, #tpu.memory_space<hbm>> -> memref<128x200xi32, #tpu.memory_space<hbm>>
      tpu.wait_dma2 semaphore(%run_scoped3A : memref<!tpu.dma_semaphore, #tpu.memory_space<semaphore_mem>>) src(%dma_wait3A_270 : memref<128x200xi32, #tpu.memory_space<hbm>>) dst(%arg5 : memref<128x200xi32, #tpu.memory_space<vmem>>)
      tpu.yield
    }) : () -> ()
    %dma_start3A = arith.constant 0 : i32
    %dma_start3A_3 = arith.constant 0 : i32
    %dma_start3A_4 = arith.constant 0 : i32
    %dma_start3A_5 = arith.constant 0 : i32
    %dma_start3A_6 = tpu.memref_slice %arg6[%dma_start3A_3, %dma_start3A_4, %dma_start3A_5] : memref<8x200x64xf32, #tpu.memory_space<vmem>> -> memref<1x128x64xf32, #tpu.memory_space<vmem>>
    %dma_start3A_7 = tpu.memref_squeeze %dma_start3A_6 : memref<1x128x64xf32, #tpu.memory_space<vmem>> -> memref<128x64xf32, #tpu.memory_space<vmem>>
    %dma_start3A_8 = arith.constant 0 : i32
    %dma_start3A_9 = tpu.memref_slice %arg5[%dma_start3A, %dma_start3A_8] : memref<128x200xi32, #tpu.memory_space<vmem>> -> memref<1x128xi32, #tpu.memory_space<vmem>>
    %dma_start3A_10 = tpu.memref_squeeze %dma_start3A_9 : memref<1x128xi32, #tpu.memory_space<vmem>> -> memref<128xi32, #tpu.memory_space<vmem>>
    %dma_start3A_11 = arith.constant 0 : i32
    %dma_start3A_12 = arith.constant 0 : i32
    %dma_start3A_13 = tpu.memref_slice %arg2[%dma_start3A_11, %dma_start3A_12] : memref<1000000x64xf32, #tpu.memory_space<hbm>> -> memref<1000000x64xf32, #tpu.memory_space<hbm>>
    tpu.enqueue_indirect_dma source(%dma_start3A_13 : memref<1000000x64xf32, #tpu.memory_space<hbm>>) target(%dma_start3A_7 : memref<128x64xf32, #tpu.memory_space<vmem>>) offsets(%dma_start3A_10 : memref<128xi32, #tpu.memory_space<vmem>>) semaphore(%arg7 : memref<!tpu.dma_semaphore, #tpu.memory_space<semaphore_mem>>)
    %dma_start3A_14 = arith.constant 0 : i32
    %dma_start3A_15 = arith.constant 0 : i32
    %dma_start3A_16 = arith.constant 128 : i32
    %dma_start3A_17 = arith.constant 0 : i32
    %dma_start3A_18 = tpu.memref_slice %arg6[%dma_start3A_15, %dma_start3A_16, %dma_start3A_17] : memref<8x200x64xf32, #tpu.memory_space<vmem>> -> memref<1x72x64xf32, #tpu.memory_space<vmem>>
    %dma_start3A_19 = tpu.memref_squeeze %dma_start3A_18 : memref<1x72x64xf32, #tpu.memory_space<vmem>> -> memref<72x64xf32, #tpu.memory_space<vmem>>
    %dma_start3A_20 = arith.constant 128 : i32
    %dma_start3A_21 = tpu.memref_slice %arg5[%dma_start3A_14, %dma_start3A_20] : memref<128x200xi32, #tpu.memory_space<vmem>> -> memref<1x72xi32, #tpu.memory_space<vmem>>
    %dma_start3A_22 = tpu.memref_squeeze %dma_start3A_21 : memref<1x72xi32, #tpu.memory_space<vmem>> -> memref<72xi32, #tpu.memory_space<vmem>>
    %dma_start3A_23 = arith.constant 0 : i32
    %dma_start3A_24 = arith.constant 0 : i32
    %dma_start3A_25 = tpu.memref_slice %arg2[%dma_start3A_23, %dma_start3A_24] : memref<1000000x64xf32, #tpu.memory_space<hbm>> -> memref<1000000x64xf32, #tpu.memory_space<hbm>>
    tpu.enqueue_indirect_dma source(%dma_start3A_25 : memref<1000000x64xf32, #tpu.memory_space<hbm>>) target(%dma_start3A_19 : memref<72x64xf32, #tpu.memory_space<vmem>>) offsets(%dma_start3A_22 : memref<72xi32, #tpu.memory_space<vmem>>) semaphore(%arg7 : memref<!tpu.dma_semaphore, #tpu.memory_space<semaphore_mem>>)
    %dma_start3A_26 = arith.constant 1 : i32
    %dma_start3A_27 = arith.constant 1 : i32
    %dma_start3A_28 = arith.constant 0 : i32
    %dma_start3A_29 = arith.constant 0 : i32
    %dma_start3A_30 = tpu.memref_slice %arg6[%dma_start3A_27, %dma_start3A_28, %dma_start3A_29] : memref<8x200x64xf32, #tpu.memory_space<vmem>> -> memref<1x128x64xf32, #tpu.memory_space<vmem>>
    %dma_start3A_31 = tpu.memref_squeeze %dma_start3A_30 : memref<1x128x64xf32, #tpu.memory_space<vmem>> -> memref<128x64xf32, #tpu.memory_space<vmem>>
    %dma_start3A_32 = arith.constant 0 : i32
    %dma_start3A_33 = tpu.memref_slice %arg5[%dma_start3A_26, %dma_start3A_32] : memref<128x200xi32, #tpu.memory_space<vmem>> -> memref<1x128xi32, #tpu.memory_space<vmem>>
    %dma_start3A_34 = tpu.memref_squeeze %dma_start3A_33 : memref<1x128xi32, #tpu.memory_space<vmem>> -> memref<128xi32, #tpu.memory_space<vmem>>
    %dma_start3A_35 = arith.constant 0 : i32
    %dma_start3A_36 = arith.constant 0 : i32
    %dma_start3A_37 = tpu.memref_slice %arg2[%dma_start3A_35, %dma_start3A_36] : memref<1000000x64xf32, #tpu.memory_space<hbm>> -> memref<1000000x64xf32, #tpu.memory_space<hbm>>
    tpu.enqueue_indirect_dma source(%dma_start3A_37 : memref<1000000x64xf32, #tpu.memory_space<hbm>>) target(%dma_start3A_31 : memref<128x64xf32, #tpu.memory_space<vmem>>) offsets(%dma_start3A_34 : memref<128xi32, #tpu.memory_space<vmem>>) semaphore(%arg8 : memref<!tpu.dma_semaphore, #tpu.memory_space<semaphore_mem>>)
    %dma_start3A_38 = arith.constant 1 : i32
    %dma_start3A_39 = arith.constant 1 : i32
    %dma_start3A_40 = arith.constant 128 : i32
    %dma_start3A_41 = arith.constant 0 : i32
    %dma_start3A_42 = tpu.memref_slice %arg6[%dma_start3A_39, %dma_start3A_40, %dma_start3A_41] : memref<8x200x64xf32, #tpu.memory_space<vmem>> -> memref<1x72x64xf32, #tpu.memory_space<vmem>>
    %dma_start3A_43 = tpu.memref_squeeze %dma_start3A_42 : memref<1x72x64xf32, #tpu.memory_space<vmem>> -> memref<72x64xf32, #tpu.memory_space<vmem>>
    %dma_start3A_44 = arith.constant 128 : i32
    %dma_start3A_45 = tpu.memref_slice %arg5[%dma_start3A_38, %dma_start3A_44] : memref<128x200xi32, #tpu.memory_space<vmem>> -> memref<1x72xi32, #tpu.memory_space<vmem>>
    %dma_start3A_46 = tpu.memref_squeeze %dma_start3A_45 : memref<1x72xi32, #tpu.memory_space<vmem>> -> memref<72xi32, #tpu.memory_space<vmem>>
    %dma_start3A_47 = arith.constant 0 : i32
    %dma_start3A_48 = arith.constant 0 : i32
    %dma_start3A_49 = tpu.memref_slice %arg2[%dma_start3A_47, %dma_start3A_48] : memref<1000000x64xf32, #tpu.memory_space<hbm>> -> memref<1000000x64xf32, #tpu.memory_space<hbm>>
    tpu.enqueue_indirect_dma source(%dma_start3A_49 : memref<1000000x64xf32, #tpu.memory_space<hbm>>) target(%dma_start3A_43 : memref<72x64xf32, #tpu.memory_space<vmem>>) offsets(%dma_start3A_46 : memref<72xi32, #tpu.memory_space<vmem>>) semaphore(%arg8 : memref<!tpu.dma_semaphore, #tpu.memory_space<semaphore_mem>>)
    %dma_start3A_50 = arith.constant 2 : i32
    %dma_start3A_51 = arith.constant 2 : i32
    %dma_start3A_52 = arith.constant 0 : i32
    %dma_start3A_53 = arith.constant 0 : i32
    %dma_start3A_54 = tpu.memref_slice %arg6[%dma_start3A_51, %dma_start3A_52, %dma_start3A_53] : memref<8x200x64xf32, #tpu.memory_space<vmem>> -> memref<1x128x64xf32, #tpu.memory_space<vmem>>
    %dma_start3A_55 = tpu.memref_squeeze %dma_start3A_54 : memref<1x128x64xf32, #tpu.memory_space<vmem>> -> memref<128x64xf32, #tpu.memory_space<vmem>>
    %dma_start3A_56 = arith.constant 0 : i32
    %dma_start3A_57 = tpu.memref_slice %arg5[%dma_start3A_50, %dma_start3A_56] : memref<128x200xi32, #tpu.memory_space<vmem>> -> memref<1x128xi32, #tpu.memory_space<vmem>>
    %dma_start3A_58 = tpu.memref_squeeze %dma_start3A_57 : memref<1x128xi32, #tpu.memory_space<vmem>> -> memref<128xi32, #tpu.memory_space<vmem>>
    %dma_start3A_59 = arith.constant 0 : i32
    %dma_start3A_60 = arith.constant 0 : i32
    %dma_start3A_61 = tpu.memref_slice %arg2[%dma_start3A_59, %dma_start3A_60] : memref<1000000x64xf32, #tpu.memory_space<hbm>> -> memref<1000000x64xf32, #tpu.memory_space<hbm>>
    tpu.enqueue_indirect_dma source(%dma_start3A_61 : memref<1000000x64xf32, #tpu.memory_space<hbm>>) target(%dma_start3A_55 : memref<128x64xf32, #tpu.memory_space<vmem>>) offsets(%dma_start3A_58 : memref<128xi32, #tpu.memory_space<vmem>>) semaphore(%arg9 : memref<!tpu.dma_semaphore, #tpu.memory_space<semaphore_mem>>)
    %dma_start3A_62 = arith.constant 2 : i32
    %dma_start3A_63 = arith.constant 2 : i32
    %dma_start3A_64 = arith.constant 128 : i32
    %dma_start3A_65 = arith.constant 0 : i32
    %dma_start3A_66 = tpu.memref_slice %arg6[%dma_start3A_63, %dma_start3A_64, %dma_start3A_65] : memref<8x200x64xf32, #tpu.memory_space<vmem>> -> memref<1x72x64xf32, #tpu.memory_space<vmem>>
    %dma_start3A_67 = tpu.memref_squeeze %dma_start3A_66 : memref<1x72x64xf32, #tpu.memory_space<vmem>> -> memref<72x64xf32, #tpu.memory_space<vmem>>
    %dma_start3A_68 = arith.constant 128 : i32
    %dma_start3A_69 = tpu.memref_slice %arg5[%dma_start3A_62, %dma_start3A_68] : memref<128x200xi32, #tpu.memory_space<vmem>> -> memref<1x72xi32, #tpu.memory_space<vmem>>
    %dma_start3A_70 = tpu.memref_squeeze %dma_start3A_69 : memref<1x72xi32, #tpu.memory_space<vmem>> -> memref<72xi32, #tpu.memory_space<vmem>>
    %dma_start3A_71 = arith.constant 0 : i32
    %dma_start3A_72 = arith.constant 0 : i32
    %dma_start3A_73 = tpu.memref_slice %arg2[%dma_start3A_71, %dma_start3A_72] : memref<1000000x64xf32, #tpu.memory_space<hbm>> -> memref<1000000x64xf32, #tpu.memory_space<hbm>>
    tpu.enqueue_indirect_dma source(%dma_start3A_73 : memref<1000000x64xf32, #tpu.memory_space<hbm>>) target(%dma_start3A_67 : memref<72x64xf32, #tpu.memory_space<vmem>>) offsets(%dma_start3A_70 : memref<72xi32, #tpu.memory_space<vmem>>) semaphore(%arg9 : memref<!tpu.dma_semaphore, #tpu.memory_space<semaphore_mem>>)
    %dma_start3A_74 = arith.constant 3 : i32
    %dma_start3A_75 = arith.constant 3 : i32
    %dma_start3A_76 = arith.constant 0 : i32
    %dma_start3A_77 = arith.constant 0 : i32
    %dma_start3A_78 = tpu.memref_slice %arg6[%dma_start3A_75, %dma_start3A_76, %dma_start3A_77] : memref<8x200x64xf32, #tpu.memory_space<vmem>> -> memref<1x128x64xf32, #tpu.memory_space<vmem>>
    %dma_start3A_79 = tpu.memref_squeeze %dma_start3A_78 : memref<1x128x64xf32, #tpu.memory_space<vmem>> -> memref<128x64xf32, #tpu.memory_space<vmem>>
    %dma_start3A_80 = arith.constant 0 : i32
    %dma_start3A_81 = tpu.memref_slice %arg5[%dma_start3A_74, %dma_start3A_80] : memref<128x200xi32, #tpu.memory_space<vmem>> -> memref<1x128xi32, #tpu.memory_space<vmem>>
    %dma_start3A_82 = tpu.memref_squeeze %dma_start3A_81 : memref<1x128xi32, #tpu.memory_space<vmem>> -> memref<128xi32, #tpu.memory_space<vmem>>
    %dma_start3A_83 = arith.constant 0 : i32
    %dma_start3A_84 = arith.constant 0 : i32
    %dma_start3A_85 = tpu.memref_slice %arg2[%dma_start3A_83, %dma_start3A_84] : memref<1000000x64xf32, #tpu.memory_space<hbm>> -> memref<1000000x64xf32, #tpu.memory_space<hbm>>
    tpu.enqueue_indirect_dma source(%dma_start3A_85 : memref<1000000x64xf32, #tpu.memory_space<hbm>>) target(%dma_start3A_79 : memref<128x64xf32, #tpu.memory_space<vmem>>) offsets(%dma_start3A_82 : memref<128xi32, #tpu.memory_space<vmem>>) semaphore(%arg10 : memref<!tpu.dma_semaphore, #tpu.memory_space<semaphore_mem>>)
    %dma_start3A_86 = arith.constant 3 : i32
    %dma_start3A_87 = arith.constant 3 : i32
    %dma_start3A_88 = arith.constant 128 : i32
    %dma_start3A_89 = arith.constant 0 : i32
    %dma_start3A_90 = tpu.memref_slice %arg6[%dma_start3A_87, %dma_start3A_88, %dma_start3A_89] : memref<8x200x64xf32, #tpu.memory_space<vmem>> -> memref<1x72x64xf32, #tpu.memory_space<vmem>>
    %dma_start3A_91 = tpu.memref_squeeze %dma_start3A_90 : memref<1x72x64xf32, #tpu.memory_space<vmem>> -> memref<72x64xf32, #tpu.memory_space<vmem>>
    %dma_start3A_92 = arith.constant 128 : i32
    %dma_start3A_93 = tpu.memref_slice %arg5[%dma_start3A_86, %dma_start3A_92] : memref<128x200xi32, #tpu.memory_space<vmem>> -> memref<1x72xi32, #tpu.memory_space<vmem>>
    %dma_start3A_94 = tpu.memref_squeeze %dma_start3A_93 : memref<1x72xi32, #tpu.memory_space<vmem>> -> memref<72xi32, #tpu.memory_space<vmem>>
    %dma_start3A_95 = arith.constant 0 : i32
    %dma_start3A_96 = arith.constant 0 : i32
    %dma_start3A_97 = tpu.memref_slice %arg2[%dma_start3A_95, %dma_start3A_96] : memref<1000000x64xf32, #tpu.memory_space<hbm>> -> memref<1000000x64xf32, #tpu.memory_space<hbm>>
    tpu.enqueue_indirect_dma source(%dma_start3A_97 : memref<1000000x64xf32, #tpu.memory_space<hbm>>) target(%dma_start3A_91 : memref<72x64xf32, #tpu.memory_space<vmem>>) offsets(%dma_start3A_94 : memref<72xi32, #tpu.memory_space<vmem>>) semaphore(%arg10 : memref<!tpu.dma_semaphore, #tpu.memory_space<semaphore_mem>>)
    %dma_start3A_98 = arith.constant 4 : i32
    %dma_start3A_99 = arith.constant 4 : i32
    %dma_start3A_100 = arith.constant 0 : i32
    %dma_start3A_101 = arith.constant 0 : i32
    %dma_start3A_102 = tpu.memref_slice %arg6[%dma_start3A_99, %dma_start3A_100, %dma_start3A_101] : memref<8x200x64xf32, #tpu.memory_space<vmem>> -> memref<1x128x64xf32, #tpu.memory_space<vmem>>
    %dma_start3A_103 = tpu.memref_squeeze %dma_start3A_102 : memref<1x128x64xf32, #tpu.memory_space<vmem>> -> memref<128x64xf32, #tpu.memory_space<vmem>>
    %dma_start3A_104 = arith.constant 0 : i32
    %dma_start3A_105 = tpu.memref_slice %arg5[%dma_start3A_98, %dma_start3A_104] : memref<128x200xi32, #tpu.memory_space<vmem>> -> memref<1x128xi32, #tpu.memory_space<vmem>>
    %dma_start3A_106 = tpu.memref_squeeze %dma_start3A_105 : memref<1x128xi32, #tpu.memory_space<vmem>> -> memref<128xi32, #tpu.memory_space<vmem>>
    %dma_start3A_107 = arith.constant 0 : i32
    %dma_start3A_108 = arith.constant 0 : i32
    %dma_start3A_109 = tpu.memref_slice %arg2[%dma_start3A_107, %dma_start3A_108] : memref<1000000x64xf32, #tpu.memory_space<hbm>> -> memref<1000000x64xf32, #tpu.memory_space<hbm>>
    tpu.enqueue_indirect_dma source(%dma_start3A_109 : memref<1000000x64xf32, #tpu.memory_space<hbm>>) target(%dma_start3A_103 : memref<128x64xf32, #tpu.memory_space<vmem>>) offsets(%dma_start3A_106 : memref<128xi32, #tpu.memory_space<vmem>>) semaphore(%arg11 : memref<!tpu.dma_semaphore, #tpu.memory_space<semaphore_mem>>)
    %dma_start3A_110 = arith.constant 4 : i32
    %dma_start3A_111 = arith.constant 4 : i32
    %dma_start3A_112 = arith.constant 128 : i32
    %dma_start3A_113 = arith.constant 0 : i32
    %dma_start3A_114 = tpu.memref_slice %arg6[%dma_start3A_111, %dma_start3A_112, %dma_start3A_113] : memref<8x200x64xf32, #tpu.memory_space<vmem>> -> memref<1x72x64xf32, #tpu.memory_space<vmem>>
    %dma_start3A_115 = tpu.memref_squeeze %dma_start3A_114 : memref<1x72x64xf32, #tpu.memory_space<vmem>> -> memref<72x64xf32, #tpu.memory_space<vmem>>
    %dma_start3A_116 = arith.constant 128 : i32
    %dma_start3A_117 = tpu.memref_slice %arg5[%dma_start3A_110, %dma_start3A_116] : memref<128x200xi32, #tpu.memory_space<vmem>> -> memref<1x72xi32, #tpu.memory_space<vmem>>
    %dma_start3A_118 = tpu.memref_squeeze %dma_start3A_117 : memref<1x72xi32, #tpu.memory_space<vmem>> -> memref<72xi32, #tpu.memory_space<vmem>>
    %dma_start3A_119 = arith.constant 0 : i32
    %dma_start3A_120 = arith.constant 0 : i32
    %dma_start3A_121 = tpu.memref_slice %arg2[%dma_start3A_119, %dma_start3A_120] : memref<1000000x64xf32, #tpu.memory_space<hbm>> -> memref<1000000x64xf32, #tpu.memory_space<hbm>>
    tpu.enqueue_indirect_dma source(%dma_start3A_121 : memref<1000000x64xf32, #tpu.memory_space<hbm>>) target(%dma_start3A_115 : memref<72x64xf32, #tpu.memory_space<vmem>>) offsets(%dma_start3A_118 : memref<72xi32, #tpu.memory_space<vmem>>) semaphore(%arg11 : memref<!tpu.dma_semaphore, #tpu.memory_space<semaphore_mem>>)
    %scan3A = arith.constant 0 : i32
    %scan3A_122 = arith.constant 0 : i32
    %scan3A_123 = arith.constant 16 : i32
    %scan3A_124 = arith.addi %scan3A_122, %scan3A_123 : i32
    %scan3A_125 = arith.constant 1 : i32
    %scan3A_126 = scf.for %scan3A_263 = %scan3A_122 to %scan3A_124 step %scan3A_125 iter_args(%scan3A_264 = %scan3A) -> (i32)  : i32 {
      %mul3A_265 = arith.constant 8 : i32
      %mul3A_266 = arith.muli %scan3A_263, %mul3A_265 : i32
      %add3A_267 = arith.constant 0 : i32
      %add3A_268 = arith.addi %mul3A_266, %add3A_267 : i32
      %add3A_269 = arith.constant 5 : i32
      %add3A_270 = arith.addi %add3A_268, %add3A_269 : i32
      %lt3A = arith.constant 128 : i32
      %lt3A_271 = arith.cmpi slt, %add3A_270, %lt3A : i32
      %convert_element_type3A = arith.extui %lt3A_271 : i1 to i32
      %cond3A = arith.constant 0 : i32
      %cond3A_272 = arith.cmpi ne, %convert_element_type3A, %cond3A : i32
      scf.if %cond3A_272 {
        %add3A_591 = arith.constant 5 : i32
        %add3A_592 = arith.addi %add3A_268, %add3A_591 : i32
        %ge3A = arith.constant 8 : i32
        %ge3A_593 = arith.cmpi sge, %add3A_592, %ge3A : i32
        %convert_element_type3A_594 = arith.extui %ge3A_593 : i1 to i32
        %cond3A_595 = arith.constant 0 : i32
        %cond3A_596 = arith.cmpi ne, %convert_element_type3A_594, %cond3A_595 : i32
        scf.if %cond3A_596 {
          %dma_wait3A_621 = arith.constant 5 : i32
          %dma_wait3A_622 = arith.constant 0 : i32
          %dma_wait3A_623 = arith.constant 0 : i32
          %dma_wait3A_624 = tpu.memref_slice %arg6[%dma_wait3A_621, %dma_wait3A_622, %dma_wait3A_623] : memref<8x200x64xf32, #tpu.memory_space<vmem>> -> memref<1x200x64xf32, #tpu.memory_space<vmem>>
          %dma_wait3A_625 = tpu.memref_squeeze %dma_wait3A_624 : memref<1x200x64xf32, #tpu.memory_space<vmem>> -> memref<200x64xf32, #tpu.memory_space<vmem>>
          %dma_wait3A_626 = arith.constant 0 : i32
          %dma_wait3A_627 = arith.constant 0 : i32
          %dma_wait3A_628 = tpu.memref_slice %arg4[%mul3A_2, %dma_wait3A_626, %dma_wait3A_627] : memref<4096x200x64xf32, #tpu.memory_space<hbm>> -> memref<1x200x64xf32, #tpu.memory_space<hbm>>
          %dma_wait3A_629 = tpu.memref_squeeze %dma_wait3A_628 : memref<1x200x64xf32, #tpu.memory_space<hbm>> -> memref<200x64xf32, #tpu.memory_space<hbm>>
          %dma_wait3A_630 = arith.constant 0 : i32
          %dma_wait3A_631 = arith.constant 0 : i32
          %dma_wait3A_632 = tpu.memref_slice %arg4[%mul3A_2, %dma_wait3A_630, %dma_wait3A_631] : memref<4096x200x64xf32, #tpu.memory_space<hbm>> -> memref<1x200x64xf32, #tpu.memory_space<hbm>>
          %dma_wait3A_633 = tpu.memref_squeeze %dma_wait3A_632 : memref<1x200x64xf32, #tpu.memory_space<hbm>> -> memref<200x64xf32, #tpu.memory_space<hbm>>
          %dma_wait3A_634 = arith.constant 0 : i32
          %dma_wait3A_635 = arith.constant 0 : i32
          %dma_wait3A_636 = tpu.memref_slice %arg6[%dma_wait3A_621, %dma_wait3A_634, %dma_wait3A_635] : memref<8x200x64xf32, #tpu.memory_space<vmem>> -> memref<1x200x64xf32, #tpu.memory_space<vmem>>
          %dma_wait3A_637 = tpu.memref_squeeze %dma_wait3A_636 : memref<1x200x64xf32, #tpu.memory_space<vmem>> -> memref<200x64xf32, #tpu.memory_space<vmem>>
          tpu.wait_dma2 semaphore(%arg20 : memref<!tpu.dma_semaphore, #tpu.memory_space<semaphore_mem>>) src(%dma_wait3A_637 : memref<200x64xf32, #tpu.memory_space<vmem>>) dst(%dma_wait3A_633 : memref<200x64xf32, #tpu.memory_space<hbm>>)
        } else {
        }
        %add3A_597 = arith.constant 5 : i32
        %add3A_598 = arith.addi %add3A_268, %add3A_597 : i32
        %dma_start3A_599 = arith.constant 5 : i32
        %dma_start3A_600 = arith.constant 0 : i32
        %dma_start3A_601 = arith.constant 0 : i32
        %dma_start3A_602 = tpu.memref_slice %arg6[%dma_start3A_599, %dma_start3A_600, %dma_start3A_601] : memref<8x200x64xf32, #tpu.memory_space<vmem>> -> memref<1x128x64xf32, #tpu.memory_space<vmem>>
        %dma_start3A_603 = tpu.memref_squeeze %dma_start3A_602 : memref<1x128x64xf32, #tpu.memory_space<vmem>> -> memref<128x64xf32, #tpu.memory_space<vmem>>
        %dma_start3A_604 = arith.constant 0 : i32
        %dma_start3A_605 = tpu.memref_slice %arg5[%add3A_598, %dma_start3A_604] : memref<128x200xi32, #tpu.memory_space<vmem>> -> memref<1x128xi32, #tpu.memory_space<vmem>>
        %dma_start3A_606 = tpu.memref_squeeze %dma_start3A_605 : memref<1x128xi32, #tpu.memory_space<vmem>> -> memref<128xi32, #tpu.memory_space<vmem>>
        %dma_start3A_607 = arith.constant 0 : i32
        %dma_start3A_608 = arith.constant 0 : i32
        %dma_start3A_609 = tpu.memref_slice %arg2[%dma_start3A_607, %dma_start3A_608] : memref<1000000x64xf32, #tpu.memory_space<hbm>> -> memref<1000000x64xf32, #tpu.memory_space<hbm>>
        tpu.enqueue_indirect_dma source(%dma_start3A_609 : memref<1000000x64xf32, #tpu.memory_space<hbm>>) target(%dma_start3A_603 : memref<128x64xf32, #tpu.memory_space<vmem>>) offsets(%dma_start3A_606 : memref<128xi32, #tpu.memory_space<vmem>>) semaphore(%arg12 : memref<!tpu.dma_semaphore, #tpu.memory_space<semaphore_mem>>)
        %dma_start3A_610 = arith.constant 5 : i32
        %dma_start3A_611 = arith.constant 128 : i32
        %dma_start3A_612 = arith.constant 0 : i32
        %dma_start3A_613 = tpu.memref_slice %arg6[%dma_start3A_610, %dma_start3A_611, %dma_start3A_612] : memref<8x200x64xf32, #tpu.memory_space<vmem>> -> memref<1x72x64xf32, #tpu.memory_space<vmem>>
        %dma_start3A_614 = tpu.memref_squeeze %dma_start3A_613 : memref<1x72x64xf32, #tpu.memory_space<vmem>> -> memref<72x64xf32, #tpu.memory_space<vmem>>
        %dma_start3A_615 = arith.constant 128 : i32
        %dma_start3A_616 = tpu.memref_slice %arg5[%add3A_598, %dma_start3A_615] : memref<128x200xi32, #tpu.memory_space<vmem>> -> memref<1x72xi32, #tpu.memory_space<vmem>>
        %dma_start3A_617 = tpu.memref_squeeze %dma_start3A_616 : memref<1x72xi32, #tpu.memory_space<vmem>> -> memref<72xi32, #tpu.memory_space<vmem>>
        %dma_start3A_618 = arith.constant 0 : i32
        %dma_start3A_619 = arith.constant 0 : i32
        %dma_start3A_620 = tpu.memref_slice %arg2[%dma_start3A_618, %dma_start3A_619] : memref<1000000x64xf32, #tpu.memory_space<hbm>> -> memref<1000000x64xf32, #tpu.memory_space<hbm>>
        tpu.enqueue_indirect_dma source(%dma_start3A_620 : memref<1000000x64xf32, #tpu.memory_space<hbm>>) target(%dma_start3A_614 : memref<72x64xf32, #tpu.memory_space<vmem>>) offsets(%dma_start3A_617 : memref<72xi32, #tpu.memory_space<vmem>>) semaphore(%arg12 : memref<!tpu.dma_semaphore, #tpu.memory_space<semaphore_mem>>)
      } else {
      }
      %dma_wait3A_273 = arith.constant 0 : i32
      %dma_wait3A_274 = arith.constant 0 : i32
      %dma_wait3A_275 = arith.constant 0 : i32
      %dma_wait3A_276 = arith.constant 0 : i32
      %dma_wait3A_277 = tpu.memref_slice %arg6[%dma_wait3A_274, %dma_wait3A_275, %dma_wait3A_276] : memref<8x200x64xf32, #tpu.memory_space<vmem>> -> memref<1x200x64xf32, #tpu.memory_space<vmem>>
      %dma_wait3A_278 = tpu.memref_squeeze %dma_wait3A_277 : memref<1x200x64xf32, #tpu.memory_space<vmem>> -> memref<200x64xf32, #tpu.memory_space<vmem>>
      %dma_wait3A_279 = arith.constant 0 : i32
      %dma_wait3A_280 = tpu.memref_slice %arg5[%dma_wait3A_273, %dma_wait3A_279] : memref<128x200xi32, #tpu.memory_space<vmem>> -> memref<1x200xi32, #tpu.memory_space<vmem>>
      %dma_wait3A_281 = tpu.memref_squeeze %dma_wait3A_280 : memref<1x200xi32, #tpu.memory_space<vmem>> -> memref<200xi32, #tpu.memory_space<vmem>>
      %dma_wait3A_282 = arith.constant 0 : i32
      %dma_wait3A_283 = arith.constant 0 : i32
      %dma_wait3A_284 = tpu.memref_slice %arg2[%dma_wait3A_282, %dma_wait3A_283] : memref<1000000x64xf32, #tpu.memory_space<hbm>> -> memref<1000000x64xf32, #tpu.memory_space<hbm>>
      tpu.wait_indirect_dma semaphore(%arg7 : memref<!tpu.dma_semaphore, #tpu.memory_space<semaphore_mem>>) src(%dma_wait3A_284 : memref<1000000x64xf32, #tpu.memory_space<hbm>>) dst(%dma_wait3A_278 : memref<200x64xf32, #tpu.memory_space<vmem>>)
      %add3A_285 = arith.addi %mul3A_2, %add3A_268 : i32
      %dma_start3A_286 = arith.constant 0 : i32
      %dma_start3A_287 = arith.constant 0 : i32
      %dma_start3A_288 = arith.constant 0 : i32
      %dma_start3A_289 = tpu.memref_slice %arg6[%dma_start3A_286, %dma_start3A_287, %dma_start3A_288] : memref<8x200x64xf32, #tpu.memory_space<vmem>> -> memref<1x200x64xf32, #tpu.memory_space<vmem>>
      %dma_start3A_290 = tpu.memref_squeeze %dma_start3A_289 : memref<1x200x64xf32, #tpu.memory_space<vmem>> -> memref<200x64xf32, #tpu.memory_space<vmem>>
      %dma_start3A_291 = arith.constant 0 : i32
      %dma_start3A_292 = arith.constant 0 : i32
      %dma_start3A_293 = tpu.memref_slice %arg4[%add3A_285, %dma_start3A_291, %dma_start3A_292] : memref<4096x200x64xf32, #tpu.memory_space<hbm>> -> memref<1x200x64xf32, #tpu.memory_space<hbm>>
      %dma_start3A_294 = tpu.memref_squeeze %dma_start3A_293 : memref<1x200x64xf32, #tpu.memory_space<hbm>> -> memref<200x64xf32, #tpu.memory_space<hbm>>
      %dma_start3A_295 = arith.constant 0 : i32
      %dma_start3A_296 = arith.constant 0 : i32
      %dma_start3A_297 = tpu.memref_slice %arg4[%add3A_285, %dma_start3A_295, %dma_start3A_296] : memref<4096x200x64xf32, #tpu.memory_space<hbm>> -> memref<1x200x64xf32, #tpu.memory_space<hbm>>
      %dma_start3A_298 = tpu.memref_squeeze %dma_start3A_297 : memref<1x200x64xf32, #tpu.memory_space<hbm>> -> memref<200x64xf32, #tpu.memory_space<hbm>>
      %dma_start3A_299 = arith.constant 0 : i32
      %dma_start3A_300 = arith.constant 0 : i32
      %dma_start3A_301 = tpu.memref_slice %arg6[%dma_start3A_286, %dma_start3A_299, %dma_start3A_300] : memref<8x200x64xf32, #tpu.memory_space<vmem>> -> memref<1x200x64xf32, #tpu.memory_space<vmem>>
      %dma_start3A_302 = tpu.memref_squeeze %dma_start3A_301 : memref<1x200x64xf32, #tpu.memory_space<vmem>> -> memref<200x64xf32, #tpu.memory_space<vmem>>
      tpu.enqueue_dma source(%dma_start3A_302 : memref<200x64xf32, #tpu.memory_space<vmem>>) target(%dma_start3A_298 : memref<200x64xf32, #tpu.memory_space<hbm>>) target_semaphore(%arg15 : memref<!tpu.dma_semaphore, #tpu.memory_space<semaphore_mem>>)
      %mul3A_303 = arith.constant 8 : i32
      %mul3A_304 = arith.muli %scan3A_263, %mul3A_303 : i32
      %add3A_305 = arith.constant 1 : i32
      %add3A_306 = arith.addi %mul3A_304, %add3A_305 : i32
      %add3A_307 = arith.constant 5 : i32
      %add3A_308 = arith.addi %add3A_306, %add3A_307 : i32
      %lt3A_309 = arith.constant 128 : i32
      %lt3A_310 = arith.cmpi slt, %add3A_308, %lt3A_309 : i32
      %convert_element_type3A_311 = arith.extui %lt3A_310 : i1 to i32
      %cond3A_312 = arith.constant 0 : i32
      %cond3A_313 = arith.cmpi ne, %convert_element_type3A_311, %cond3A_312 : i32
      scf.if %cond3A_313 {
        %add3A_591 = arith.constant 5 : i32
        %add3A_592 = arith.addi %add3A_306, %add3A_591 : i32
        %ge3A = arith.constant 8 : i32
        %ge3A_593 = arith.cmpi sge, %add3A_592, %ge3A : i32
        %convert_element_type3A_594 = arith.extui %ge3A_593 : i1 to i32
        %cond3A_595 = arith.constant 0 : i32
        %cond3A_596 = arith.cmpi ne, %convert_element_type3A_594, %cond3A_595 : i32
        scf.if %cond3A_596 {
          %dma_wait3A_621 = arith.constant 6 : i32
          %dma_wait3A_622 = arith.constant 0 : i32
          %dma_wait3A_623 = arith.constant 0 : i32
          %dma_wait3A_624 = tpu.memref_slice %arg6[%dma_wait3A_621, %dma_wait3A_622, %dma_wait3A_623] : memref<8x200x64xf32, #tpu.memory_space<vmem>> -> memref<1x200x64xf32, #tpu.memory_space<vmem>>
          %dma_wait3A_625 = tpu.memref_squeeze %dma_wait3A_624 : memref<1x200x64xf32, #tpu.memory_space<vmem>> -> memref<200x64xf32, #tpu.memory_space<vmem>>
          %dma_wait3A_626 = arith.constant 0 : i32
          %dma_wait3A_627 = arith.constant 0 : i32
          %dma_wait3A_628 = tpu.memref_slice %arg4[%mul3A_2, %dma_wait3A_626, %dma_wait3A_627] : memref<4096x200x64xf32, #tpu.memory_space<hbm>> -> memref<1x200x64xf32, #tpu.memory_space<hbm>>
          %dma_wait3A_629 = tpu.memref_squeeze %dma_wait3A_628 : memref<1x200x64xf32, #tpu.memory_space<hbm>> -> memref<200x64xf32, #tpu.memory_space<hbm>>
          %dma_wait3A_630 = arith.constant 0 : i32
          %dma_wait3A_631 = arith.constant 0 : i32
          %dma_wait3A_632 = tpu.memref_slice %arg4[%mul3A_2, %dma_wait3A_630, %dma_wait3A_631] : memref<4096x200x64xf32, #tpu.memory_space<hbm>> -> memref<1x200x64xf32, #tpu.memory_space<hbm>>
          %dma_wait3A_633 = tpu.memref_squeeze %dma_wait3A_632 : memref<1x200x64xf32, #tpu.memory_space<hbm>> -> memref<200x64xf32, #tpu.memory_space<hbm>>
          %dma_wait3A_634 = arith.constant 0 : i32
          %dma_wait3A_635 = arith.constant 0 : i32
          %dma_wait3A_636 = tpu.memref_slice %arg6[%dma_wait3A_621, %dma_wait3A_634, %dma_wait3A_635] : memref<8x200x64xf32, #tpu.memory_space<vmem>> -> memref<1x200x64xf32, #tpu.memory_space<vmem>>
          %dma_wait3A_637 = tpu.memref_squeeze %dma_wait3A_636 : memref<1x200x64xf32, #tpu.memory_space<vmem>> -> memref<200x64xf32, #tpu.memory_space<vmem>>
          tpu.wait_dma2 semaphore(%arg21 : memref<!tpu.dma_semaphore, #tpu.memory_space<semaphore_mem>>) src(%dma_wait3A_637 : memref<200x64xf32, #tpu.memory_space<vmem>>) dst(%dma_wait3A_633 : memref<200x64xf32, #tpu.memory_space<hbm>>)
        } else {
        }
        %add3A_597 = arith.constant 5 : i32
        %add3A_598 = arith.addi %add3A_306, %add3A_597 : i32
        %dma_start3A_599 = arith.constant 6 : i32
        %dma_start3A_600 = arith.constant 0 : i32
        %dma_start3A_601 = arith.constant 0 : i32
        %dma_start3A_602 = tpu.memref_slice %arg6[%dma_start3A_599, %dma_start3A_600, %dma_start3A_601] : memref<8x200x64xf32, #tpu.memory_space<vmem>> -> memref<1x128x64xf32, #tpu.memory_space<vmem>>
        %dma_start3A_603 = tpu.memref_squeeze %dma_start3A_602 : memref<1x128x64xf32, #tpu.memory_space<vmem>> -> memref<128x64xf32, #tpu.memory_space<vmem>>
        %dma_start3A_604 = arith.constant 0 : i32
        %dma_start3A_605 = tpu.memref_slice %arg5[%add3A_598, %dma_start3A_604] : memref<128x200xi32, #tpu.memory_space<vmem>> -> memref<1x128xi32, #tpu.memory_space<vmem>>
        %dma_start3A_606 = tpu.memref_squeeze %dma_start3A_605 : memref<1x128xi32, #tpu.memory_space<vmem>> -> memref<128xi32, #tpu.memory_space<vmem>>
        %dma_start3A_607 = arith.constant 0 : i32
        %dma_start3A_608 = arith.constant 0 : i32
        %dma_start3A_609 = tpu.memref_slice %arg2[%dma_start3A_607, %dma_start3A_608] : memref<1000000x64xf32, #tpu.memory_space<hbm>> -> memref<1000000x64xf32, #tpu.memory_space<hbm>>
        tpu.enqueue_indirect_dma source(%dma_start3A_609 : memref<1000000x64xf32, #tpu.memory_space<hbm>>) target(%dma_start3A_603 : memref<128x64xf32, #tpu.memory_space<vmem>>) offsets(%dma_start3A_606 : memref<128xi32, #tpu.memory_space<vmem>>) semaphore(%arg13 : memref<!tpu.dma_semaphore, #tpu.memory_space<semaphore_mem>>)
        %dma_start3A_610 = arith.constant 6 : i32
        %dma_start3A_611 = arith.constant 128 : i32
        %dma_start3A_612 = arith.constant 0 : i32
        %dma_start3A_613 = tpu.memref_slice %arg6[%dma_start3A_610, %dma_start3A_611, %dma_start3A_612] : memref<8x200x64xf32, #tpu.memory_space<vmem>> -> memref<1x72x64xf32, #tpu.memory_space<vmem>>
        %dma_start3A_614 = tpu.memref_squeeze %dma_start3A_613 : memref<1x72x64xf32, #tpu.memory_space<vmem>> -> memref<72x64xf32, #tpu.memory_space<vmem>>
        %dma_start3A_615 = arith.constant 128 : i32
        %dma_start3A_616 = tpu.memref_slice %arg5[%add3A_598, %dma_start3A_615] : memref<128x200xi32, #tpu.memory_space<vmem>> -> memref<1x72xi32, #tpu.memory_space<vmem>>
        %dma_start3A_617 = tpu.memref_squeeze %dma_start3A_616 : memref<1x72xi32, #tpu.memory_space<vmem>> -> memref<72xi32, #tpu.memory_space<vmem>>
        %dma_start3A_618 = arith.constant 0 : i32
        %dma_start3A_619 = arith.constant 0 : i32
        %dma_start3A_620 = tpu.memref_slice %arg2[%dma_start3A_618, %dma_start3A_619] : memref<1000000x64xf32, #tpu.memory_space<hbm>> -> memref<1000000x64xf32, #tpu.memory_space<hbm>>
        tpu.enqueue_indirect_dma source(%dma_start3A_620 : memref<1000000x64xf32, #tpu.memory_space<hbm>>) target(%dma_start3A_614 : memref<72x64xf32, #tpu.memory_space<vmem>>) offsets(%dma_start3A_617 : memref<72xi32, #tpu.memory_space<vmem>>) semaphore(%arg13 : memref<!tpu.dma_semaphore, #tpu.memory_space<semaphore_mem>>)
      } else {
      }
      %dma_wait3A_314 = arith.constant 0 : i32
      %dma_wait3A_315 = arith.constant 1 : i32
      %dma_wait3A_316 = arith.constant 0 : i32
      %dma_wait3A_317 = arith.constant 0 : i32
      %dma_wait3A_318 = tpu.memref_slice %arg6[%dma_wait3A_315, %dma_wait3A_316, %dma_wait3A_317] : memref<8x200x64xf32, #tpu.memory_space<vmem>> -> memref<1x200x64xf32, #tpu.memory_space<vmem>>
      %dma_wait3A_319 = tpu.memref_squeeze %dma_wait3A_318 : memref<1x200x64xf32, #tpu.memory_space<vmem>> -> memref<200x64xf32, #tpu.memory_space<vmem>>
      %dma_wait3A_320 = arith.constant 0 : i32
      %dma_wait3A_321 = tpu.memref_slice %arg5[%dma_wait3A_314, %dma_wait3A_320] : memref<128x200xi32, #tpu.memory_space<vmem>> -> memref<1x200xi32, #tpu.memory_space<vmem>>
      %dma_wait3A_322 = tpu.memref_squeeze %dma_wait3A_321 : memref<1x200xi32, #tpu.memory_space<vmem>> -> memref<200xi32, #tpu.memory_space<vmem>>
      %dma_wait3A_323 = arith.constant 0 : i32
      %dma_wait3A_324 = arith.constant 0 : i32
      %dma_wait3A_325 = tpu.memref_slice %arg2[%dma_wait3A_323, %dma_wait3A_324] : memref<1000000x64xf32, #tpu.memory_space<hbm>> -> memref<1000000x64xf32, #tpu.memory_space<hbm>>
      tpu.wait_indirect_dma semaphore(%arg8 : memref<!tpu.dma_semaphore, #tpu.memory_space<semaphore_mem>>) src(%dma_wait3A_325 : memref<1000000x64xf32, #tpu.memory_space<hbm>>) dst(%dma_wait3A_319 : memref<200x64xf32, #tpu.memory_space<vmem>>)
      %add3A_326 = arith.addi %mul3A_2, %add3A_306 : i32
      %dma_start3A_327 = arith.constant 1 : i32
      %dma_start3A_328 = arith.constant 0 : i32
      %dma_start3A_329 = arith.constant 0 : i32
      %dma_start3A_330 = tpu.memref_slice %arg6[%dma_start3A_327, %dma_start3A_328, %dma_start3A_329] : memref<8x200x64xf32, #tpu.memory_space<vmem>> -> memref<1x200x64xf32, #tpu.memory_space<vmem>>
      %dma_start3A_331 = tpu.memref_squeeze %dma_start3A_330 : memref<1x200x64xf32, #tpu.memory_space<vmem>> -> memref<200x64xf32, #tpu.memory_space<vmem>>
      %dma_start3A_332 = arith.constant 0 : i32
      %dma_start3A_333 = arith.constant 0 : i32
      %dma_start3A_334 = tpu.memref_slice %arg4[%add3A_326, %dma_start3A_332, %dma_start3A_333] : memref<4096x200x64xf32, #tpu.memory_space<hbm>> -> memref<1x200x64xf32, #tpu.memory_space<hbm>>
      %dma_start3A_335 = tpu.memref_squeeze %dma_start3A_334 : memref<1x200x64xf32, #tpu.memory_space<hbm>> -> memref<200x64xf32, #tpu.memory_space<hbm>>
      %dma_start3A_336 = arith.constant 0 : i32
      %dma_start3A_337 = arith.constant 0 : i32
      %dma_start3A_338 = tpu.memref_slice %arg4[%add3A_326, %dma_start3A_336, %dma_start3A_337] : memref<4096x200x64xf32, #tpu.memory_space<hbm>> -> memref<1x200x64xf32, #tpu.memory_space<hbm>>
      %dma_start3A_339 = tpu.memref_squeeze %dma_start3A_338 : memref<1x200x64xf32, #tpu.memory_space<hbm>> -> memref<200x64xf32, #tpu.memory_space<hbm>>
      %dma_start3A_340 = arith.constant 0 : i32
      %dma_start3A_341 = arith.constant 0 : i32
      %dma_start3A_342 = tpu.memref_slice %arg6[%dma_start3A_327, %dma_start3A_340, %dma_start3A_341] : memref<8x200x64xf32, #tpu.memory_space<vmem>> -> memref<1x200x64xf32, #tpu.memory_space<vmem>>
      %dma_start3A_343 = tpu.memref_squeeze %dma_start3A_342 : memref<1x200x64xf32, #tpu.memory_space<vmem>> -> memref<200x64xf32, #tpu.memory_space<vmem>>
      tpu.enqueue_dma source(%dma_start3A_343 : memref<200x64xf32, #tpu.memory_space<vmem>>) target(%dma_start3A_339 : memref<200x64xf32, #tpu.memory_space<hbm>>) target_semaphore(%arg16 : memref<!tpu.dma_semaphore, #tpu.memory_space<semaphore_mem>>)
      %mul3A_344 = arith.constant 8 : i32
      %mul3A_345 = arith.muli %scan3A_263, %mul3A_344 : i32
      %add3A_346 = arith.constant 2 : i32
      %add3A_347 = arith.addi %mul3A_345, %add3A_346 : i32
      %add3A_348 = arith.constant 5 : i32
      %add3A_349 = arith.addi %add3A_347, %add3A_348 : i32
      %lt3A_350 = arith.constant 128 : i32
      %lt3A_351 = arith.cmpi slt, %add3A_349, %lt3A_350 : i32
      %convert_element_type3A_352 = arith.extui %lt3A_351 : i1 to i32
      %cond3A_353 = arith.constant 0 : i32
      %cond3A_354 = arith.cmpi ne, %convert_element_type3A_352, %cond3A_353 : i32
      scf.if %cond3A_354 {
        %add3A_591 = arith.constant 5 : i32
        %add3A_592 = arith.addi %add3A_347, %add3A_591 : i32
        %ge3A = arith.constant 8 : i32
        %ge3A_593 = arith.cmpi sge, %add3A_592, %ge3A : i32
        %convert_element_type3A_594 = arith.extui %ge3A_593 : i1 to i32
        %cond3A_595 = arith.constant 0 : i32
        %cond3A_596 = arith.cmpi ne, %convert_element_type3A_594, %cond3A_595 : i32
        scf.if %cond3A_596 {
          %dma_wait3A_621 = arith.constant 7 : i32
          %dma_wait3A_622 = arith.constant 0 : i32
          %dma_wait3A_623 = arith.constant 0 : i32
          %dma_wait3A_624 = tpu.memref_slice %arg6[%dma_wait3A_621, %dma_wait3A_622, %dma_wait3A_623] : memref<8x200x64xf32, #tpu.memory_space<vmem>> -> memref<1x200x64xf32, #tpu.memory_space<vmem>>
          %dma_wait3A_625 = tpu.memref_squeeze %dma_wait3A_624 : memref<1x200x64xf32, #tpu.memory_space<vmem>> -> memref<200x64xf32, #tpu.memory_space<vmem>>
          %dma_wait3A_626 = arith.constant 0 : i32
          %dma_wait3A_627 = arith.constant 0 : i32
          %dma_wait3A_628 = tpu.memref_slice %arg4[%mul3A_2, %dma_wait3A_626, %dma_wait3A_627] : memref<4096x200x64xf32, #tpu.memory_space<hbm>> -> memref<1x200x64xf32, #tpu.memory_space<hbm>>
          %dma_wait3A_629 = tpu.memref_squeeze %dma_wait3A_628 : memref<1x200x64xf32, #tpu.memory_space<hbm>> -> memref<200x64xf32, #tpu.memory_space<hbm>>
          %dma_wait3A_630 = arith.constant 0 : i32
          %dma_wait3A_631 = arith.constant 0 : i32
          %dma_wait3A_632 = tpu.memref_slice %arg4[%mul3A_2, %dma_wait3A_630, %dma_wait3A_631] : memref<4096x200x64xf32, #tpu.memory_space<hbm>> -> memref<1x200x64xf32, #tpu.memory_space<hbm>>
          %dma_wait3A_633 = tpu.memref_squeeze %dma_wait3A_632 : memref<1x200x64xf32, #tpu.memory_space<hbm>> -> memref<200x64xf32, #tpu.memory_space<hbm>>
          %dma_wait3A_634 = arith.constant 0 : i32
          %dma_wait3A_635 = arith.constant 0 : i32
          %dma_wait3A_636 = tpu.memref_slice %arg6[%dma_wait3A_621, %dma_wait3A_634, %dma_wait3A_635] : memref<8x200x64xf32, #tpu.memory_space<vmem>> -> memref<1x200x64xf32, #tpu.memory_space<vmem>>
          %dma_wait3A_637 = tpu.memref_squeeze %dma_wait3A_636 : memref<1x200x64xf32, #tpu.memory_space<vmem>> -> memref<200x64xf32, #tpu.memory_space<vmem>>
          tpu.wait_dma2 semaphore(%arg22 : memref<!tpu.dma_semaphore, #tpu.memory_space<semaphore_mem>>) src(%dma_wait3A_637 : memref<200x64xf32, #tpu.memory_space<vmem>>) dst(%dma_wait3A_633 : memref<200x64xf32, #tpu.memory_space<hbm>>)
        } else {
        }
        %add3A_597 = arith.constant 5 : i32
        %add3A_598 = arith.addi %add3A_347, %add3A_597 : i32
        %dma_start3A_599 = arith.constant 7 : i32
        %dma_start3A_600 = arith.constant 0 : i32
        %dma_start3A_601 = arith.constant 0 : i32
        %dma_start3A_602 = tpu.memref_slice %arg6[%dma_start3A_599, %dma_start3A_600, %dma_start3A_601] : memref<8x200x64xf32, #tpu.memory_space<vmem>> -> memref<1x128x64xf32, #tpu.memory_space<vmem>>
        %dma_start3A_603 = tpu.memref_squeeze %dma_start3A_602 : memref<1x128x64xf32, #tpu.memory_space<vmem>> -> memref<128x64xf32, #tpu.memory_space<vmem>>
        %dma_start3A_604 = arith.constant 0 : i32
        %dma_start3A_605 = tpu.memref_slice %arg5[%add3A_598, %dma_start3A_604] : memref<128x200xi32, #tpu.memory_space<vmem>> -> memref<1x128xi32, #tpu.memory_space<vmem>>
        %dma_start3A_606 = tpu.memref_squeeze %dma_start3A_605 : memref<1x128xi32, #tpu.memory_space<vmem>> -> memref<128xi32, #tpu.memory_space<vmem>>
        %dma_start3A_607 = arith.constant 0 : i32
        %dma_start3A_608 = arith.constant 0 : i32
        %dma_start3A_609 = tpu.memref_slice %arg2[%dma_start3A_607, %dma_start3A_608] : memref<1000000x64xf32, #tpu.memory_space<hbm>> -> memref<1000000x64xf32, #tpu.memory_space<hbm>>
        tpu.enqueue_indirect_dma source(%dma_start3A_609 : memref<1000000x64xf32, #tpu.memory_space<hbm>>) target(%dma_start3A_603 : memref<128x64xf32, #tpu.memory_space<vmem>>) offsets(%dma_start3A_606 : memref<128xi32, #tpu.memory_space<vmem>>) semaphore(%arg14 : memref<!tpu.dma_semaphore, #tpu.memory_space<semaphore_mem>>)
        %dma_start3A_610 = arith.constant 7 : i32
        %dma_start3A_611 = arith.constant 128 : i32
        %dma_start3A_612 = arith.constant 0 : i32
        %dma_start3A_613 = tpu.memref_slice %arg6[%dma_start3A_610, %dma_start3A_611, %dma_start3A_612] : memref<8x200x64xf32, #tpu.memory_space<vmem>> -> memref<1x72x64xf32, #tpu.memory_space<vmem>>
        %dma_start3A_614 = tpu.memref_squeeze %dma_start3A_613 : memref<1x72x64xf32, #tpu.memory_space<vmem>> -> memref<72x64xf32, #tpu.memory_space<vmem>>
        %dma_start3A_615 = arith.constant 128 : i32
        %dma_start3A_616 = tpu.memref_slice %arg5[%add3A_598, %dma_start3A_615] : memref<128x200xi32, #tpu.memory_space<vmem>> -> memref<1x72xi32, #tpu.memory_space<vmem>>
        %dma_start3A_617 = tpu.memref_squeeze %dma_start3A_616 : memref<1x72xi32, #tpu.memory_space<vmem>> -> memref<72xi32, #tpu.memory_space<vmem>>
        %dma_start3A_618 = arith.constant 0 : i32
        %dma_start3A_619 = arith.constant 0 : i32
        %dma_start3A_620 = tpu.memref_slice %arg2[%dma_start3A_618, %dma_start3A_619] : memref<1000000x64xf32, #tpu.memory_space<hbm>> -> memref<1000000x64xf32, #tpu.memory_space<hbm>>
        tpu.enqueue_indirect_dma source(%dma_start3A_620 : memref<1000000x64xf32, #tpu.memory_space<hbm>>) target(%dma_start3A_614 : memref<72x64xf32, #tpu.memory_space<vmem>>) offsets(%dma_start3A_617 : memref<72xi32, #tpu.memory_space<vmem>>) semaphore(%arg14 : memref<!tpu.dma_semaphore, #tpu.memory_space<semaphore_mem>>)
      } else {
      }
      %dma_wait3A_355 = arith.constant 0 : i32
      %dma_wait3A_356 = arith.constant 2 : i32
      %dma_wait3A_357 = arith.constant 0 : i32
      %dma_wait3A_358 = arith.constant 0 : i32
      %dma_wait3A_359 = tpu.memref_slice %arg6[%dma_wait3A_356, %dma_wait3A_357, %dma_wait3A_358] : memref<8x200x64xf32, #tpu.memory_space<vmem>> -> memref<1x200x64xf32, #tpu.memory_space<vmem>>
      %dma_wait3A_360 = tpu.memref_squeeze %dma_wait3A_359 : memref<1x200x64xf32, #tpu.memory_space<vmem>> -> memref<200x64xf32, #tpu.memory_space<vmem>>
      %dma_wait3A_361 = arith.constant 0 : i32
      %dma_wait3A_362 = tpu.memref_slice %arg5[%dma_wait3A_355, %dma_wait3A_361] : memref<128x200xi32, #tpu.memory_space<vmem>> -> memref<1x200xi32, #tpu.memory_space<vmem>>
      %dma_wait3A_363 = tpu.memref_squeeze %dma_wait3A_362 : memref<1x200xi32, #tpu.memory_space<vmem>> -> memref<200xi32, #tpu.memory_space<vmem>>
      %dma_wait3A_364 = arith.constant 0 : i32
      %dma_wait3A_365 = arith.constant 0 : i32
      %dma_wait3A_366 = tpu.memref_slice %arg2[%dma_wait3A_364, %dma_wait3A_365] : memref<1000000x64xf32, #tpu.memory_space<hbm>> -> memref<1000000x64xf32, #tpu.memory_space<hbm>>
      tpu.wait_indirect_dma semaphore(%arg9 : memref<!tpu.dma_semaphore, #tpu.memory_space<semaphore_mem>>) src(%dma_wait3A_366 : memref<1000000x64xf32, #tpu.memory_space<hbm>>) dst(%dma_wait3A_360 : memref<200x64xf32, #tpu.memory_space<vmem>>)
      %add3A_367 = arith.addi %mul3A_2, %add3A_347 : i32
      %dma_start3A_368 = arith.constant 2 : i32
      %dma_start3A_369 = arith.constant 0 : i32
      %dma_start3A_370 = arith.constant 0 : i32
      %dma_start3A_371 = tpu.memref_slice %arg6[%dma_start3A_368, %dma_start3A_369, %dma_start3A_370] : memref<8x200x64xf32, #tpu.memory_space<vmem>> -> memref<1x200x64xf32, #tpu.memory_space<vmem>>
      %dma_start3A_372 = tpu.memref_squeeze %dma_start3A_371 : memref<1x200x64xf32, #tpu.memory_space<vmem>> -> memref<200x64xf32, #tpu.memory_space<vmem>>
      %dma_start3A_373 = arith.constant 0 : i32
      %dma_start3A_374 = arith.constant 0 : i32
      %dma_start3A_375 = tpu.memref_slice %arg4[%add3A_367, %dma_start3A_373, %dma_start3A_374] : memref<4096x200x64xf32, #tpu.memory_space<hbm>> -> memref<1x200x64xf32, #tpu.memory_space<hbm>>
      %dma_start3A_376 = tpu.memref_squeeze %dma_start3A_375 : memref<1x200x64xf32, #tpu.memory_space<hbm>> -> memref<200x64xf32, #tpu.memory_space<hbm>>
      %dma_start3A_377 = arith.constant 0 : i32
      %dma_start3A_378 = arith.constant 0 : i32
      %dma_start3A_379 = tpu.memref_slice %arg4[%add3A_367, %dma_start3A_377, %dma_start3A_378] : memref<4096x200x64xf32, #tpu.memory_space<hbm>> -> memref<1x200x64xf32, #tpu.memory_space<hbm>>
      %dma_start3A_380 = tpu.memref_squeeze %dma_start3A_379 : memref<1x200x64xf32, #tpu.memory_space<hbm>> -> memref<200x64xf32, #tpu.memory_space<hbm>>
      %dma_start3A_381 = arith.constant 0 : i32
      %dma_start3A_382 = arith.constant 0 : i32
      %dma_start3A_383 = tpu.memref_slice %arg6[%dma_start3A_368, %dma_start3A_381, %dma_start3A_382] : memref<8x200x64xf32, #tpu.memory_space<vmem>> -> memref<1x200x64xf32, #tpu.memory_space<vmem>>
      %dma_start3A_384 = tpu.memref_squeeze %dma_start3A_383 : memref<1x200x64xf32, #tpu.memory_space<vmem>> -> memref<200x64xf32, #tpu.memory_space<vmem>>
      tpu.enqueue_dma source(%dma_start3A_384 : memref<200x64xf32, #tpu.memory_space<vmem>>) target(%dma_start3A_380 : memref<200x64xf32, #tpu.memory_space<hbm>>) target_semaphore(%arg17 : memref<!tpu.dma_semaphore, #tpu.memory_space<semaphore_mem>>)
      %mul3A_385 = arith.constant 8 : i32
      %mul3A_386 = arith.muli %scan3A_263, %mul3A_385 : i32
      %add3A_387 = arith.constant 3 : i32
      %add3A_388 = arith.addi %mul3A_386, %add3A_387 : i32
      %add3A_389 = arith.constant 5 : i32
      %add3A_390 = arith.addi %add3A_388, %add3A_389 : i32
      %lt3A_391 = arith.constant 128 : i32
      %lt3A_392 = arith.cmpi slt, %add3A_390, %lt3A_391 : i32
      %convert_element_type3A_393 = arith.extui %lt3A_392 : i1 to i32
      %cond3A_394 = arith.constant 0 : i32
      %cond3A_395 = arith.cmpi ne, %convert_element_type3A_393, %cond3A_394 : i32
      scf.if %cond3A_395 {
        %add3A_591 = arith.constant 5 : i32
        %add3A_592 = arith.addi %add3A_388, %add3A_591 : i32
        %ge3A = arith.constant 8 : i32
        %ge3A_593 = arith.cmpi sge, %add3A_592, %ge3A : i32
        %convert_element_type3A_594 = arith.extui %ge3A_593 : i1 to i32
        %cond3A_595 = arith.constant 0 : i32
        %cond3A_596 = arith.cmpi ne, %convert_element_type3A_594, %cond3A_595 : i32
        scf.if %cond3A_596 {
          %dma_wait3A_621 = arith.constant 0 : i32
          %dma_wait3A_622 = arith.constant 0 : i32
          %dma_wait3A_623 = arith.constant 0 : i32
          %dma_wait3A_624 = tpu.memref_slice %arg6[%dma_wait3A_621, %dma_wait3A_622, %dma_wait3A_623] : memref<8x200x64xf32, #tpu.memory_space<vmem>> -> memref<1x200x64xf32, #tpu.memory_space<vmem>>
          %dma_wait3A_625 = tpu.memref_squeeze %dma_wait3A_624 : memref<1x200x64xf32, #tpu.memory_space<vmem>> -> memref<200x64xf32, #tpu.memory_space<vmem>>
          %dma_wait3A_626 = arith.constant 0 : i32
          %dma_wait3A_627 = arith.constant 0 : i32
          %dma_wait3A_628 = tpu.memref_slice %arg4[%mul3A_2, %dma_wait3A_626, %dma_wait3A_627] : memref<4096x200x64xf32, #tpu.memory_space<hbm>> -> memref<1x200x64xf32, #tpu.memory_space<hbm>>
          %dma_wait3A_629 = tpu.memref_squeeze %dma_wait3A_628 : memref<1x200x64xf32, #tpu.memory_space<hbm>> -> memref<200x64xf32, #tpu.memory_space<hbm>>
          %dma_wait3A_630 = arith.constant 0 : i32
          %dma_wait3A_631 = arith.constant 0 : i32
          %dma_wait3A_632 = tpu.memref_slice %arg4[%mul3A_2, %dma_wait3A_630, %dma_wait3A_631] : memref<4096x200x64xf32, #tpu.memory_space<hbm>> -> memref<1x200x64xf32, #tpu.memory_space<hbm>>
          %dma_wait3A_633 = tpu.memref_squeeze %dma_wait3A_632 : memref<1x200x64xf32, #tpu.memory_space<hbm>> -> memref<200x64xf32, #tpu.memory_space<hbm>>
          %dma_wait3A_634 = arith.constant 0 : i32
          %dma_wait3A_635 = arith.constant 0 : i32
          %dma_wait3A_636 = tpu.memref_slice %arg6[%dma_wait3A_621, %dma_wait3A_634, %dma_wait3A_635] : memref<8x200x64xf32, #tpu.memory_space<vmem>> -> memref<1x200x64xf32, #tpu.memory_space<vmem>>
          %dma_wait3A_637 = tpu.memref_squeeze %dma_wait3A_636 : memref<1x200x64xf32, #tpu.memory_space<vmem>> -> memref<200x64xf32, #tpu.memory_space<vmem>>
          tpu.wait_dma2 semaphore(%arg15 : memref<!tpu.dma_semaphore, #tpu.memory_space<semaphore_mem>>) src(%dma_wait3A_637 : memref<200x64xf32, #tpu.memory_space<vmem>>) dst(%dma_wait3A_633 : memref<200x64xf32, #tpu.memory_space<hbm>>)
        } else {
        }
        %add3A_597 = arith.constant 5 : i32
        %add3A_598 = arith.addi %add3A_388, %add3A_597 : i32
        %dma_start3A_599 = arith.constant 0 : i32
        %dma_start3A_600 = arith.constant 0 : i32
        %dma_start3A_601 = arith.constant 0 : i32
        %dma_start3A_602 = tpu.memref_slice %arg6[%dma_start3A_599, %dma_start3A_600, %dma_start3A_601] : memref<8x200x64xf32, #tpu.memory_space<vmem>> -> memref<1x128x64xf32, #tpu.memory_space<vmem>>
        %dma_start3A_603 = tpu.memref_squeeze %dma_start3A_602 : memref<1x128x64xf32, #tpu.memory_space<vmem>> -> memref<128x64xf32, #tpu.memory_space<vmem>>
        %dma_start3A_604 = arith.constant 0 : i32
        %dma_start3A_605 = tpu.memref_slice %arg5[%add3A_598, %dma_start3A_604] : memref<128x200xi32, #tpu.memory_space<vmem>> -> memref<1x128xi32, #tpu.memory_space<vmem>>
        %dma_start3A_606 = tpu.memref_squeeze %dma_start3A_605 : memref<1x128xi32, #tpu.memory_space<vmem>> -> memref<128xi32, #tpu.memory_space<vmem>>
        %dma_start3A_607 = arith.constant 0 : i32
        %dma_start3A_608 = arith.constant 0 : i32
        %dma_start3A_609 = tpu.memref_slice %arg2[%dma_start3A_607, %dma_start3A_608] : memref<1000000x64xf32, #tpu.memory_space<hbm>> -> memref<1000000x64xf32, #tpu.memory_space<hbm>>
        tpu.enqueue_indirect_dma source(%dma_start3A_609 : memref<1000000x64xf32, #tpu.memory_space<hbm>>) target(%dma_start3A_603 : memref<128x64xf32, #tpu.memory_space<vmem>>) offsets(%dma_start3A_606 : memref<128xi32, #tpu.memory_space<vmem>>) semaphore(%arg7 : memref<!tpu.dma_semaphore, #tpu.memory_space<semaphore_mem>>)
        %dma_start3A_610 = arith.constant 0 : i32
        %dma_start3A_611 = arith.constant 128 : i32
        %dma_start3A_612 = arith.constant 0 : i32
        %dma_start3A_613 = tpu.memref_slice %arg6[%dma_start3A_610, %dma_start3A_611, %dma_start3A_612] : memref<8x200x64xf32, #tpu.memory_space<vmem>> -> memref<1x72x64xf32, #tpu.memory_space<vmem>>
        %dma_start3A_614 = tpu.memref_squeeze %dma_start3A_613 : memref<1x72x64xf32, #tpu.memory_space<vmem>> -> memref<72x64xf32, #tpu.memory_space<vmem>>
        %dma_start3A_615 = arith.constant 128 : i32
        %dma_start3A_616 = tpu.memref_slice %arg5[%add3A_598, %dma_start3A_615] : memref<128x200xi32, #tpu.memory_space<vmem>> -> memref<1x72xi32, #tpu.memory_space<vmem>>
        %dma_start3A_617 = tpu.memref_squeeze %dma_start3A_616 : memref<1x72xi32, #tpu.memory_space<vmem>> -> memref<72xi32, #tpu.memory_space<vmem>>
        %dma_start3A_618 = arith.constant 0 : i32
        %dma_start3A_619 = arith.constant 0 : i32
        %dma_start3A_620 = tpu.memref_slice %arg2[%dma_start3A_618, %dma_start3A_619] : memref<1000000x64xf32, #tpu.memory_space<hbm>> -> memref<1000000x64xf32, #tpu.memory_space<hbm>>
        tpu.enqueue_indirect_dma source(%dma_start3A_620 : memref<1000000x64xf32, #tpu.memory_space<hbm>>) target(%dma_start3A_614 : memref<72x64xf32, #tpu.memory_space<vmem>>) offsets(%dma_start3A_617 : memref<72xi32, #tpu.memory_space<vmem>>) semaphore(%arg7 : memref<!tpu.dma_semaphore, #tpu.memory_space<semaphore_mem>>)
      } else {
      }
      %dma_wait3A_396 = arith.constant 0 : i32
      %dma_wait3A_397 = arith.constant 3 : i32
      %dma_wait3A_398 = arith.constant 0 : i32
      %dma_wait3A_399 = arith.constant 0 : i32
      %dma_wait3A_400 = tpu.memref_slice %arg6[%dma_wait3A_397, %dma_wait3A_398, %dma_wait3A_399] : memref<8x200x64xf32, #tpu.memory_space<vmem>> -> memref<1x200x64xf32, #tpu.memory_space<vmem>>
      %dma_wait3A_401 = tpu.memref_squeeze %dma_wait3A_400 : memref<1x200x64xf32, #tpu.memory_space<vmem>> -> memref<200x64xf32, #tpu.memory_space<vmem>>
      %dma_wait3A_402 = arith.constant 0 : i32
      %dma_wait3A_403 = tpu.memref_slice %arg5[%dma_wait3A_396, %dma_wait3A_402] : memref<128x200xi32, #tpu.memory_space<vmem>> -> memref<1x200xi32, #tpu.memory_space<vmem>>
      %dma_wait3A_404 = tpu.memref_squeeze %dma_wait3A_403 : memref<1x200xi32, #tpu.memory_space<vmem>> -> memref<200xi32, #tpu.memory_space<vmem>>
      %dma_wait3A_405 = arith.constant 0 : i32
      %dma_wait3A_406 = arith.constant 0 : i32
      %dma_wait3A_407 = tpu.memref_slice %arg2[%dma_wait3A_405, %dma_wait3A_406] : memref<1000000x64xf32, #tpu.memory_space<hbm>> -> memref<1000000x64xf32, #tpu.memory_space<hbm>>
      tpu.wait_indirect_dma semaphore(%arg10 : memref<!tpu.dma_semaphore, #tpu.memory_space<semaphore_mem>>) src(%dma_wait3A_407 : memref<1000000x64xf32, #tpu.memory_space<hbm>>) dst(%dma_wait3A_401 : memref<200x64xf32, #tpu.memory_space<vmem>>)
      %add3A_408 = arith.addi %mul3A_2, %add3A_388 : i32
      %dma_start3A_409 = arith.constant 3 : i32
      %dma_start3A_410 = arith.constant 0 : i32
      %dma_start3A_411 = arith.constant 0 : i32
      %dma_start3A_412 = tpu.memref_slice %arg6[%dma_start3A_409, %dma_start3A_410, %dma_start3A_411] : memref<8x200x64xf32, #tpu.memory_space<vmem>> -> memref<1x200x64xf32, #tpu.memory_space<vmem>>
      %dma_start3A_413 = tpu.memref_squeeze %dma_start3A_412 : memref<1x200x64xf32, #tpu.memory_space<vmem>> -> memref<200x64xf32, #tpu.memory_space<vmem>>
      %dma_start3A_414 = arith.constant 0 : i32
      %dma_start3A_415 = arith.constant 0 : i32
      %dma_start3A_416 = tpu.memref_slice %arg4[%add3A_408, %dma_start3A_414, %dma_start3A_415] : memref<4096x200x64xf32, #tpu.memory_space<hbm>> -> memref<1x200x64xf32, #tpu.memory_space<hbm>>
      %dma_start3A_417 = tpu.memref_squeeze %dma_start3A_416 : memref<1x200x64xf32, #tpu.memory_space<hbm>> -> memref<200x64xf32, #tpu.memory_space<hbm>>
      %dma_start3A_418 = arith.constant 0 : i32
      %dma_start3A_419 = arith.constant 0 : i32
      %dma_start3A_420 = tpu.memref_slice %arg4[%add3A_408, %dma_start3A_418, %dma_start3A_419] : memref<4096x200x64xf32, #tpu.memory_space<hbm>> -> memref<1x200x64xf32, #tpu.memory_space<hbm>>
      %dma_start3A_421 = tpu.memref_squeeze %dma_start3A_420 : memref<1x200x64xf32, #tpu.memory_space<hbm>> -> memref<200x64xf32, #tpu.memory_space<hbm>>
      %dma_start3A_422 = arith.constant 0 : i32
      %dma_start3A_423 = arith.constant 0 : i32
      %dma_start3A_424 = tpu.memref_slice %arg6[%dma_start3A_409, %dma_start3A_422, %dma_start3A_423] : memref<8x200x64xf32, #tpu.memory_space<vmem>> -> memref<1x200x64xf32, #tpu.memory_space<vmem>>
      %dma_start3A_425 = tpu.memref_squeeze %dma_start3A_424 : memref<1x200x64xf32, #tpu.memory_space<vmem>> -> memref<200x64xf32, #tpu.memory_space<vmem>>
      tpu.enqueue_dma source(%dma_start3A_425 : memref<200x64xf32, #tpu.memory_space<vmem>>) target(%dma_start3A_421 : memref<200x64xf32, #tpu.memory_space<hbm>>) target_semaphore(%arg18 : memref<!tpu.dma_semaphore, #tpu.memory_space<semaphore_mem>>)
      %mul3A_426 = arith.constant 8 : i32
      %mul3A_427 = arith.muli %scan3A_263, %mul3A_426 : i32
      %add3A_428 = arith.constant 4 : i32
      %add3A_429 = arith.addi %mul3A_427, %add3A_428 : i32
      %add3A_430 = arith.constant 5 : i32
      %add3A_431 = arith.addi %add3A_429, %add3A_430 : i32
      %lt3A_432 = arith.constant 128 : i32
      %lt3A_433 = arith.cmpi slt, %add3A_431, %lt3A_432 : i32
      %convert_element_type3A_434 = arith.extui %lt3A_433 : i1 to i32
      %cond3A_435 = arith.constant 0 : i32
      %cond3A_436 = arith.cmpi ne, %convert_element_type3A_434, %cond3A_435 : i32
      scf.if %cond3A_436 {
        %add3A_591 = arith.constant 5 : i32
        %add3A_592 = arith.addi %add3A_429, %add3A_591 : i32
        %ge3A = arith.constant 8 : i32
        %ge3A_593 = arith.cmpi sge, %add3A_592, %ge3A : i32
        %convert_element_type3A_594 = arith.extui %ge3A_593 : i1 to i32
        %cond3A_595 = arith.constant 0 : i32
        %cond3A_596 = arith.cmpi ne, %convert_element_type3A_594, %cond3A_595 : i32
        scf.if %cond3A_596 {
          %dma_wait3A_621 = arith.constant 1 : i32
          %dma_wait3A_622 = arith.constant 0 : i32
          %dma_wait3A_623 = arith.constant 0 : i32
          %dma_wait3A_624 = tpu.memref_slice %arg6[%dma_wait3A_621, %dma_wait3A_622, %dma_wait3A_623] : memref<8x200x64xf32, #tpu.memory_space<vmem>> -> memref<1x200x64xf32, #tpu.memory_space<vmem>>
          %dma_wait3A_625 = tpu.memref_squeeze %dma_wait3A_624 : memref<1x200x64xf32, #tpu.memory_space<vmem>> -> memref<200x64xf32, #tpu.memory_space<vmem>>
          %dma_wait3A_626 = arith.constant 0 : i32
          %dma_wait3A_627 = arith.constant 0 : i32
          %dma_wait3A_628 = tpu.memref_slice %arg4[%mul3A_2, %dma_wait3A_626, %dma_wait3A_627] : memref<4096x200x64xf32, #tpu.memory_space<hbm>> -> memref<1x200x64xf32, #tpu.memory_space<hbm>>
          %dma_wait3A_629 = tpu.memref_squeeze %dma_wait3A_628 : memref<1x200x64xf32, #tpu.memory_space<hbm>> -> memref<200x64xf32, #tpu.memory_space<hbm>>
          %dma_wait3A_630 = arith.constant 0 : i32
          %dma_wait3A_631 = arith.constant 0 : i32
          %dma_wait3A_632 = tpu.memref_slice %arg4[%mul3A_2, %dma_wait3A_630, %dma_wait3A_631] : memref<4096x200x64xf32, #tpu.memory_space<hbm>> -> memref<1x200x64xf32, #tpu.memory_space<hbm>>
          %dma_wait3A_633 = tpu.memref_squeeze %dma_wait3A_632 : memref<1x200x64xf32, #tpu.memory_space<hbm>> -> memref<200x64xf32, #tpu.memory_space<hbm>>
          %dma_wait3A_634 = arith.constant 0 : i32
          %dma_wait3A_635 = arith.constant 0 : i32
          %dma_wait3A_636 = tpu.memref_slice %arg6[%dma_wait3A_621, %dma_wait3A_634, %dma_wait3A_635] : memref<8x200x64xf32, #tpu.memory_space<vmem>> -> memref<1x200x64xf32, #tpu.memory_space<vmem>>
          %dma_wait3A_637 = tpu.memref_squeeze %dma_wait3A_636 : memref<1x200x64xf32, #tpu.memory_space<vmem>> -> memref<200x64xf32, #tpu.memory_space<vmem>>
          tpu.wait_dma2 semaphore(%arg16 : memref<!tpu.dma_semaphore, #tpu.memory_space<semaphore_mem>>) src(%dma_wait3A_637 : memref<200x64xf32, #tpu.memory_space<vmem>>) dst(%dma_wait3A_633 : memref<200x64xf32, #tpu.memory_space<hbm>>)
        } else {
        }
        %add3A_597 = arith.constant 5 : i32
        %add3A_598 = arith.addi %add3A_429, %add3A_597 : i32
        %dma_start3A_599 = arith.constant 1 : i32
        %dma_start3A_600 = arith.constant 0 : i32
        %dma_start3A_601 = arith.constant 0 : i32
        %dma_start3A_602 = tpu.memref_slice %arg6[%dma_start3A_599, %dma_start3A_600, %dma_start3A_601] : memref<8x200x64xf32, #tpu.memory_space<vmem>> -> memref<1x128x64xf32, #tpu.memory_space<vmem>>
        %dma_start3A_603 = tpu.memref_squeeze %dma_start3A_602 : memref<1x128x64xf32, #tpu.memory_space<vmem>> -> memref<128x64xf32, #tpu.memory_space<vmem>>
        %dma_start3A_604 = arith.constant 0 : i32
        %dma_start3A_605 = tpu.memref_slice %arg5[%add3A_598, %dma_start3A_604] : memref<128x200xi32, #tpu.memory_space<vmem>> -> memref<1x128xi32, #tpu.memory_space<vmem>>
        %dma_start3A_606 = tpu.memref_squeeze %dma_start3A_605 : memref<1x128xi32, #tpu.memory_space<vmem>> -> memref<128xi32, #tpu.memory_space<vmem>>
        %dma_start3A_607 = arith.constant 0 : i32
        %dma_start3A_608 = arith.constant 0 : i32
        %dma_start3A_609 = tpu.memref_slice %arg2[%dma_start3A_607, %dma_start3A_608] : memref<1000000x64xf32, #tpu.memory_space<hbm>> -> memref<1000000x64xf32, #tpu.memory_space<hbm>>
        tpu.enqueue_indirect_dma source(%dma_start3A_609 : memref<1000000x64xf32, #tpu.memory_space<hbm>>) target(%dma_start3A_603 : memref<128x64xf32, #tpu.memory_space<vmem>>) offsets(%dma_start3A_606 : memref<128xi32, #tpu.memory_space<vmem>>) semaphore(%arg8 : memref<!tpu.dma_semaphore, #tpu.memory_space<semaphore_mem>>)
        %dma_start3A_610 = arith.constant 1 : i32
        %dma_start3A_611 = arith.constant 128 : i32
        %dma_start3A_612 = arith.constant 0 : i32
        %dma_start3A_613 = tpu.memref_slice %arg6[%dma_start3A_610, %dma_start3A_611, %dma_start3A_612] : memref<8x200x64xf32, #tpu.memory_space<vmem>> -> memref<1x72x64xf32, #tpu.memory_space<vmem>>
        %dma_start3A_614 = tpu.memref_squeeze %dma_start3A_613 : memref<1x72x64xf32, #tpu.memory_space<vmem>> -> memref<72x64xf32, #tpu.memory_space<vmem>>
        %dma_start3A_615 = arith.constant 128 : i32
        %dma_start3A_616 = tpu.memref_slice %arg5[%add3A_598, %dma_start3A_615] : memref<128x200xi32, #tpu.memory_space<vmem>> -> memref<1x72xi32, #tpu.memory_space<vmem>>
        %dma_start3A_617 = tpu.memref_squeeze %dma_start3A_616 : memref<1x72xi32, #tpu.memory_space<vmem>> -> memref<72xi32, #tpu.memory_space<vmem>>
        %dma_start3A_618 = arith.constant 0 : i32
        %dma_start3A_619 = arith.constant 0 : i32
        %dma_start3A_620 = tpu.memref_slice %arg2[%dma_start3A_618, %dma_start3A_619] : memref<1000000x64xf32, #tpu.memory_space<hbm>> -> memref<1000000x64xf32, #tpu.memory_space<hbm>>
        tpu.enqueue_indirect_dma source(%dma_start3A_620 : memref<1000000x64xf32, #tpu.memory_space<hbm>>) target(%dma_start3A_614 : memref<72x64xf32, #tpu.memory_space<vmem>>) offsets(%dma_start3A_617 : memref<72xi32, #tpu.memory_space<vmem>>) semaphore(%arg8 : memref<!tpu.dma_semaphore, #tpu.memory_space<semaphore_mem>>)
      } else {
      }
      %dma_wait3A_437 = arith.constant 0 : i32
      %dma_wait3A_438 = arith.constant 4 : i32
      %dma_wait3A_439 = arith.constant 0 : i32
      %dma_wait3A_440 = arith.constant 0 : i32
      %dma_wait3A_441 = tpu.memref_slice %arg6[%dma_wait3A_438, %dma_wait3A_439, %dma_wait3A_440] : memref<8x200x64xf32, #tpu.memory_space<vmem>> -> memref<1x200x64xf32, #tpu.memory_space<vmem>>
      %dma_wait3A_442 = tpu.memref_squeeze %dma_wait3A_441 : memref<1x200x64xf32, #tpu.memory_space<vmem>> -> memref<200x64xf32, #tpu.memory_space<vmem>>
      %dma_wait3A_443 = arith.constant 0 : i32
      %dma_wait3A_444 = tpu.memref_slice %arg5[%dma_wait3A_437, %dma_wait3A_443] : memref<128x200xi32, #tpu.memory_space<vmem>> -> memref<1x200xi32, #tpu.memory_space<vmem>>
      %dma_wait3A_445 = tpu.memref_squeeze %dma_wait3A_444 : memref<1x200xi32, #tpu.memory_space<vmem>> -> memref<200xi32, #tpu.memory_space<vmem>>
      %dma_wait3A_446 = arith.constant 0 : i32
      %dma_wait3A_447 = arith.constant 0 : i32
      %dma_wait3A_448 = tpu.memref_slice %arg2[%dma_wait3A_446, %dma_wait3A_447] : memref<1000000x64xf32, #tpu.memory_space<hbm>> -> memref<1000000x64xf32, #tpu.memory_space<hbm>>
      tpu.wait_indirect_dma semaphore(%arg11 : memref<!tpu.dma_semaphore, #tpu.memory_space<semaphore_mem>>) src(%dma_wait3A_448 : memref<1000000x64xf32, #tpu.memory_space<hbm>>) dst(%dma_wait3A_442 : memref<200x64xf32, #tpu.memory_space<vmem>>)
      %add3A_449 = arith.addi %mul3A_2, %add3A_429 : i32
      %dma_start3A_450 = arith.constant 4 : i32
      %dma_start3A_451 = arith.constant 0 : i32
      %dma_start3A_452 = arith.constant 0 : i32
      %dma_start3A_453 = tpu.memref_slice %arg6[%dma_start3A_450, %dma_start3A_451, %dma_start3A_452] : memref<8x200x64xf32, #tpu.memory_space<vmem>> -> memref<1x200x64xf32, #tpu.memory_space<vmem>>
      %dma_start3A_454 = tpu.memref_squeeze %dma_start3A_453 : memref<1x200x64xf32, #tpu.memory_space<vmem>> -> memref<200x64xf32, #tpu.memory_space<vmem>>
      %dma_start3A_455 = arith.constant 0 : i32
      %dma_start3A_456 = arith.constant 0 : i32
      %dma_start3A_457 = tpu.memref_slice %arg4[%add3A_449, %dma_start3A_455, %dma_start3A_456] : memref<4096x200x64xf32, #tpu.memory_space<hbm>> -> memref<1x200x64xf32, #tpu.memory_space<hbm>>
      %dma_start3A_458 = tpu.memref_squeeze %dma_start3A_457 : memref<1x200x64xf32, #tpu.memory_space<hbm>> -> memref<200x64xf32, #tpu.memory_space<hbm>>
      %dma_start3A_459 = arith.constant 0 : i32
      %dma_start3A_460 = arith.constant 0 : i32
      %dma_start3A_461 = tpu.memref_slice %arg4[%add3A_449, %dma_start3A_459, %dma_start3A_460] : memref<4096x200x64xf32, #tpu.memory_space<hbm>> -> memref<1x200x64xf32, #tpu.memory_space<hbm>>
      %dma_start3A_462 = tpu.memref_squeeze %dma_start3A_461 : memref<1x200x64xf32, #tpu.memory_space<hbm>> -> memref<200x64xf32, #tpu.memory_space<hbm>>
      %dma_start3A_463 = arith.constant 0 : i32
      %dma_start3A_464 = arith.constant 0 : i32
      %dma_start3A_465 = tpu.memref_slice %arg6[%dma_start3A_450, %dma_start3A_463, %dma_start3A_464] : memref<8x200x64xf32, #tpu.memory_space<vmem>> -> memref<1x200x64xf32, #tpu.memory_space<vmem>>
      %dma_start3A_466 = tpu.memref_squeeze %dma_start3A_465 : memref<1x200x64xf32, #tpu.memory_space<vmem>> -> memref<200x64xf32, #tpu.memory_space<vmem>>
      tpu.enqueue_dma source(%dma_start3A_466 : memref<200x64xf32, #tpu.memory_space<vmem>>) target(%dma_start3A_462 : memref<200x64xf32, #tpu.memory_space<hbm>>) target_semaphore(%arg19 : memref<!tpu.dma_semaphore, #tpu.memory_space<semaphore_mem>>)
      %mul3A_467 = arith.constant 8 : i32
      %mul3A_468 = arith.muli %scan3A_263, %mul3A_467 : i32
      %add3A_469 = arith.constant 5 : i32
      %add3A_470 = arith.addi %mul3A_468, %add3A_469 : i32
      %add3A_471 = arith.constant 5 : i32
      %add3A_472 = arith.addi %add3A_470, %add3A_471 : i32
      %lt3A_473 = arith.constant 128 : i32
      %lt3A_474 = arith.cmpi slt, %add3A_472, %lt3A_473 : i32
      %convert_element_type3A_475 = arith.extui %lt3A_474 : i1 to i32
      %cond3A_476 = arith.constant 0 : i32
      %cond3A_477 = arith.cmpi ne, %convert_element_type3A_475, %cond3A_476 : i32
      scf.if %cond3A_477 {
        %add3A_591 = arith.constant 5 : i32
        %add3A_592 = arith.addi %add3A_470, %add3A_591 : i32
        %ge3A = arith.constant 8 : i32
        %ge3A_593 = arith.cmpi sge, %add3A_592, %ge3A : i32
        %convert_element_type3A_594 = arith.extui %ge3A_593 : i1 to i32
        %cond3A_595 = arith.constant 0 : i32
        %cond3A_596 = arith.cmpi ne, %convert_element_type3A_594, %cond3A_595 : i32
        scf.if %cond3A_596 {
          %dma_wait3A_621 = arith.constant 2 : i32
          %dma_wait3A_622 = arith.constant 0 : i32
          %dma_wait3A_623 = arith.constant 0 : i32
          %dma_wait3A_624 = tpu.memref_slice %arg6[%dma_wait3A_621, %dma_wait3A_622, %dma_wait3A_623] : memref<8x200x64xf32, #tpu.memory_space<vmem>> -> memref<1x200x64xf32, #tpu.memory_space<vmem>>
          %dma_wait3A_625 = tpu.memref_squeeze %dma_wait3A_624 : memref<1x200x64xf32, #tpu.memory_space<vmem>> -> memref<200x64xf32, #tpu.memory_space<vmem>>
          %dma_wait3A_626 = arith.constant 0 : i32
          %dma_wait3A_627 = arith.constant 0 : i32
          %dma_wait3A_628 = tpu.memref_slice %arg4[%mul3A_2, %dma_wait3A_626, %dma_wait3A_627] : memref<4096x200x64xf32, #tpu.memory_space<hbm>> -> memref<1x200x64xf32, #tpu.memory_space<hbm>>
          %dma_wait3A_629 = tpu.memref_squeeze %dma_wait3A_628 : memref<1x200x64xf32, #tpu.memory_space<hbm>> -> memref<200x64xf32, #tpu.memory_space<hbm>>
          %dma_wait3A_630 = arith.constant 0 : i32
          %dma_wait3A_631 = arith.constant 0 : i32
          %dma_wait3A_632 = tpu.memref_slice %arg4[%mul3A_2, %dma_wait3A_630, %dma_wait3A_631] : memref<4096x200x64xf32, #tpu.memory_space<hbm>> -> memref<1x200x64xf32, #tpu.memory_space<hbm>>
          %dma_wait3A_633 = tpu.memref_squeeze %dma_wait3A_632 : memref<1x200x64xf32, #tpu.memory_space<hbm>> -> memref<200x64xf32, #tpu.memory_space<hbm>>
          %dma_wait3A_634 = arith.constant 0 : i32
          %dma_wait3A_635 = arith.constant 0 : i32
          %dma_wait3A_636 = tpu.memref_slice %arg6[%dma_wait3A_621, %dma_wait3A_634, %dma_wait3A_635] : memref<8x200x64xf32, #tpu.memory_space<vmem>> -> memref<1x200x64xf32, #tpu.memory_space<vmem>>
          %dma_wait3A_637 = tpu.memref_squeeze %dma_wait3A_636 : memref<1x200x64xf32, #tpu.memory_space<vmem>> -> memref<200x64xf32, #tpu.memory_space<vmem>>
          tpu.wait_dma2 semaphore(%arg17 : memref<!tpu.dma_semaphore, #tpu.memory_space<semaphore_mem>>) src(%dma_wait3A_637 : memref<200x64xf32, #tpu.memory_space<vmem>>) dst(%dma_wait3A_633 : memref<200x64xf32, #tpu.memory_space<hbm>>)
        } else {
        }
        %add3A_597 = arith.constant 5 : i32
        %add3A_598 = arith.addi %add3A_470, %add3A_597 : i32
        %dma_start3A_599 = arith.constant 2 : i32
        %dma_start3A_600 = arith.constant 0 : i32
        %dma_start3A_601 = arith.constant 0 : i32
        %dma_start3A_602 = tpu.memref_slice %arg6[%dma_start3A_599, %dma_start3A_600, %dma_start3A_601] : memref<8x200x64xf32, #tpu.memory_space<vmem>> -> memref<1x128x64xf32, #tpu.memory_space<vmem>>
        %dma_start3A_603 = tpu.memref_squeeze %dma_start3A_602 : memref<1x128x64xf32, #tpu.memory_space<vmem>> -> memref<128x64xf32, #tpu.memory_space<vmem>>
        %dma_start3A_604 = arith.constant 0 : i32
        %dma_start3A_605 = tpu.memref_slice %arg5[%add3A_598, %dma_start3A_604] : memref<128x200xi32, #tpu.memory_space<vmem>> -> memref<1x128xi32, #tpu.memory_space<vmem>>
        %dma_start3A_606 = tpu.memref_squeeze %dma_start3A_605 : memref<1x128xi32, #tpu.memory_space<vmem>> -> memref<128xi32, #tpu.memory_space<vmem>>
        %dma_start3A_607 = arith.constant 0 : i32
        %dma_start3A_608 = arith.constant 0 : i32
        %dma_start3A_609 = tpu.memref_slice %arg2[%dma_start3A_607, %dma_start3A_608] : memref<1000000x64xf32, #tpu.memory_space<hbm>> -> memref<1000000x64xf32, #tpu.memory_space<hbm>>
        tpu.enqueue_indirect_dma source(%dma_start3A_609 : memref<1000000x64xf32, #tpu.memory_space<hbm>>) target(%dma_start3A_603 : memref<128x64xf32, #tpu.memory_space<vmem>>) offsets(%dma_start3A_606 : memref<128xi32, #tpu.memory_space<vmem>>) semaphore(%arg9 : memref<!tpu.dma_semaphore, #tpu.memory_space<semaphore_mem>>)
        %dma_start3A_610 = arith.constant 2 : i32
        %dma_start3A_611 = arith.constant 128 : i32
        %dma_start3A_612 = arith.constant 0 : i32
        %dma_start3A_613 = tpu.memref_slice %arg6[%dma_start3A_610, %dma_start3A_611, %dma_start3A_612] : memref<8x200x64xf32, #tpu.memory_space<vmem>> -> memref<1x72x64xf32, #tpu.memory_space<vmem>>
        %dma_start3A_614 = tpu.memref_squeeze %dma_start3A_613 : memref<1x72x64xf32, #tpu.memory_space<vmem>> -> memref<72x64xf32, #tpu.memory_space<vmem>>
        %dma_start3A_615 = arith.constant 128 : i32
        %dma_start3A_616 = tpu.memref_slice %arg5[%add3A_598, %dma_start3A_615] : memref<128x200xi32, #tpu.memory_space<vmem>> -> memref<1x72xi32, #tpu.memory_space<vmem>>
        %dma_start3A_617 = tpu.memref_squeeze %dma_start3A_616 : memref<1x72xi32, #tpu.memory_space<vmem>> -> memref<72xi32, #tpu.memory_space<vmem>>
        %dma_start3A_618 = arith.constant 0 : i32
        %dma_start3A_619 = arith.constant 0 : i32
        %dma_start3A_620 = tpu.memref_slice %arg2[%dma_start3A_618, %dma_start3A_619] : memref<1000000x64xf32, #tpu.memory_space<hbm>> -> memref<1000000x64xf32, #tpu.memory_space<hbm>>
        tpu.enqueue_indirect_dma source(%dma_start3A_620 : memref<1000000x64xf32, #tpu.memory_space<hbm>>) target(%dma_start3A_614 : memref<72x64xf32, #tpu.memory_space<vmem>>) offsets(%dma_start3A_617 : memref<72xi32, #tpu.memory_space<vmem>>) semaphore(%arg9 : memref<!tpu.dma_semaphore, #tpu.memory_space<semaphore_mem>>)
      } else {
      }
      %dma_wait3A_478 = arith.constant 0 : i32
      %dma_wait3A_479 = arith.constant 5 : i32
      %dma_wait3A_480 = arith.constant 0 : i32
      %dma_wait3A_481 = arith.constant 0 : i32
      %dma_wait3A_482 = tpu.memref_slice %arg6[%dma_wait3A_479, %dma_wait3A_480, %dma_wait3A_481] : memref<8x200x64xf32, #tpu.memory_space<vmem>> -> memref<1x200x64xf32, #tpu.memory_space<vmem>>
      %dma_wait3A_483 = tpu.memref_squeeze %dma_wait3A_482 : memref<1x200x64xf32, #tpu.memory_space<vmem>> -> memref<200x64xf32, #tpu.memory_space<vmem>>
      %dma_wait3A_484 = arith.constant 0 : i32
      %dma_wait3A_485 = tpu.memref_slice %arg5[%dma_wait3A_478, %dma_wait3A_484] : memref<128x200xi32, #tpu.memory_space<vmem>> -> memref<1x200xi32, #tpu.memory_space<vmem>>
      %dma_wait3A_486 = tpu.memref_squeeze %dma_wait3A_485 : memref<1x200xi32, #tpu.memory_space<vmem>> -> memref<200xi32, #tpu.memory_space<vmem>>
      %dma_wait3A_487 = arith.constant 0 : i32
      %dma_wait3A_488 = arith.constant 0 : i32
      %dma_wait3A_489 = tpu.memref_slice %arg2[%dma_wait3A_487, %dma_wait3A_488] : memref<1000000x64xf32, #tpu.memory_space<hbm>> -> memref<1000000x64xf32, #tpu.memory_space<hbm>>
      tpu.wait_indirect_dma semaphore(%arg12 : memref<!tpu.dma_semaphore, #tpu.memory_space<semaphore_mem>>) src(%dma_wait3A_489 : memref<1000000x64xf32, #tpu.memory_space<hbm>>) dst(%dma_wait3A_483 : memref<200x64xf32, #tpu.memory_space<vmem>>)
      %add3A_490 = arith.addi %mul3A_2, %add3A_470 : i32
      %dma_start3A_491 = arith.constant 5 : i32
      %dma_start3A_492 = arith.constant 0 : i32
      %dma_start3A_493 = arith.constant 0 : i32
      %dma_start3A_494 = tpu.memref_slice %arg6[%dma_start3A_491, %dma_start3A_492, %dma_start3A_493] : memref<8x200x64xf32, #tpu.memory_space<vmem>> -> memref<1x200x64xf32, #tpu.memory_space<vmem>>
      %dma_start3A_495 = tpu.memref_squeeze %dma_start3A_494 : memref<1x200x64xf32, #tpu.memory_space<vmem>> -> memref<200x64xf32, #tpu.memory_space<vmem>>
      %dma_start3A_496 = arith.constant 0 : i32
      %dma_start3A_497 = arith.constant 0 : i32
      %dma_start3A_498 = tpu.memref_slice %arg4[%add3A_490, %dma_start3A_496, %dma_start3A_497] : memref<4096x200x64xf32, #tpu.memory_space<hbm>> -> memref<1x200x64xf32, #tpu.memory_space<hbm>>
      %dma_start3A_499 = tpu.memref_squeeze %dma_start3A_498 : memref<1x200x64xf32, #tpu.memory_space<hbm>> -> memref<200x64xf32, #tpu.memory_space<hbm>>
      %dma_start3A_500 = arith.constant 0 : i32
      %dma_start3A_501 = arith.constant 0 : i32
      %dma_start3A_502 = tpu.memref_slice %arg4[%add3A_490, %dma_start3A_500, %dma_start3A_501] : memref<4096x200x64xf32, #tpu.memory_space<hbm>> -> memref<1x200x64xf32, #tpu.memory_space<hbm>>
      %dma_start3A_503 = tpu.memref_squeeze %dma_start3A_502 : memref<1x200x64xf32, #tpu.memory_space<hbm>> -> memref<200x64xf32, #tpu.memory_space<hbm>>
      %dma_start3A_504 = arith.constant 0 : i32
      %dma_start3A_505 = arith.constant 0 : i32
      %dma_start3A_506 = tpu.memref_slice %arg6[%dma_start3A_491, %dma_start3A_504, %dma_start3A_505] : memref<8x200x64xf32, #tpu.memory_space<vmem>> -> memref<1x200x64xf32, #tpu.memory_space<vmem>>
      %dma_start3A_507 = tpu.memref_squeeze %dma_start3A_506 : memref<1x200x64xf32, #tpu.memory_space<vmem>> -> memref<200x64xf32, #tpu.memory_space<vmem>>
      tpu.enqueue_dma source(%dma_start3A_507 : memref<200x64xf32, #tpu.memory_space<vmem>>) target(%dma_start3A_503 : memref<200x64xf32, #tpu.memory_space<hbm>>) target_semaphore(%arg20 : memref<!tpu.dma_semaphore, #tpu.memory_space<semaphore_mem>>)
      %mul3A_508 = arith.constant 8 : i32
      %mul3A_509 = arith.muli %scan3A_263, %mul3A_508 : i32
      %add3A_510 = arith.constant 6 : i32
      %add3A_511 = arith.addi %mul3A_509, %add3A_510 : i32
      %add3A_512 = arith.constant 5 : i32
      %add3A_513 = arith.addi %add3A_511, %add3A_512 : i32
      %lt3A_514 = arith.constant 128 : i32
      %lt3A_515 = arith.cmpi slt, %add3A_513, %lt3A_514 : i32
      %convert_element_type3A_516 = arith.extui %lt3A_515 : i1 to i32
      %cond3A_517 = arith.constant 0 : i32
      %cond3A_518 = arith.cmpi ne, %convert_element_type3A_516, %cond3A_517 : i32
      scf.if %cond3A_518 {
        %add3A_591 = arith.constant 5 : i32
        %add3A_592 = arith.addi %add3A_511, %add3A_591 : i32
        %ge3A = arith.constant 8 : i32
        %ge3A_593 = arith.cmpi sge, %add3A_592, %ge3A : i32
        %convert_element_type3A_594 = arith.extui %ge3A_593 : i1 to i32
        %cond3A_595 = arith.constant 0 : i32
        %cond3A_596 = arith.cmpi ne, %convert_element_type3A_594, %cond3A_595 : i32
        scf.if %cond3A_596 {
          %dma_wait3A_621 = arith.constant 3 : i32
          %dma_wait3A_622 = arith.constant 0 : i32
          %dma_wait3A_623 = arith.constant 0 : i32
          %dma_wait3A_624 = tpu.memref_slice %arg6[%dma_wait3A_621, %dma_wait3A_622, %dma_wait3A_623] : memref<8x200x64xf32, #tpu.memory_space<vmem>> -> memref<1x200x64xf32, #tpu.memory_space<vmem>>
          %dma_wait3A_625 = tpu.memref_squeeze %dma_wait3A_624 : memref<1x200x64xf32, #tpu.memory_space<vmem>> -> memref<200x64xf32, #tpu.memory_space<vmem>>
          %dma_wait3A_626 = arith.constant 0 : i32
          %dma_wait3A_627 = arith.constant 0 : i32
          %dma_wait3A_628 = tpu.memref_slice %arg4[%mul3A_2, %dma_wait3A_626, %dma_wait3A_627] : memref<4096x200x64xf32, #tpu.memory_space<hbm>> -> memref<1x200x64xf32, #tpu.memory_space<hbm>>
          %dma_wait3A_629 = tpu.memref_squeeze %dma_wait3A_628 : memref<1x200x64xf32, #tpu.memory_space<hbm>> -> memref<200x64xf32, #tpu.memory_space<hbm>>
          %dma_wait3A_630 = arith.constant 0 : i32
          %dma_wait3A_631 = arith.constant 0 : i32
          %dma_wait3A_632 = tpu.memref_slice %arg4[%mul3A_2, %dma_wait3A_630, %dma_wait3A_631] : memref<4096x200x64xf32, #tpu.memory_space<hbm>> -> memref<1x200x64xf32, #tpu.memory_space<hbm>>
          %dma_wait3A_633 = tpu.memref_squeeze %dma_wait3A_632 : memref<1x200x64xf32, #tpu.memory_space<hbm>> -> memref<200x64xf32, #tpu.memory_space<hbm>>
          %dma_wait3A_634 = arith.constant 0 : i32
          %dma_wait3A_635 = arith.constant 0 : i32
          %dma_wait3A_636 = tpu.memref_slice %arg6[%dma_wait3A_621, %dma_wait3A_634, %dma_wait3A_635] : memref<8x200x64xf32, #tpu.memory_space<vmem>> -> memref<1x200x64xf32, #tpu.memory_space<vmem>>
          %dma_wait3A_637 = tpu.memref_squeeze %dma_wait3A_636 : memref<1x200x64xf32, #tpu.memory_space<vmem>> -> memref<200x64xf32, #tpu.memory_space<vmem>>
          tpu.wait_dma2 semaphore(%arg18 : memref<!tpu.dma_semaphore, #tpu.memory_space<semaphore_mem>>) src(%dma_wait3A_637 : memref<200x64xf32, #tpu.memory_space<vmem>>) dst(%dma_wait3A_633 : memref<200x64xf32, #tpu.memory_space<hbm>>)
        } else {
        }
        %add3A_597 = arith.constant 5 : i32
        %add3A_598 = arith.addi %add3A_511, %add3A_597 : i32
        %dma_start3A_599 = arith.constant 3 : i32
        %dma_start3A_600 = arith.constant 0 : i32
        %dma_start3A_601 = arith.constant 0 : i32
        %dma_start3A_602 = tpu.memref_slice %arg6[%dma_start3A_599, %dma_start3A_600, %dma_start3A_601] : memref<8x200x64xf32, #tpu.memory_space<vmem>> -> memref<1x128x64xf32, #tpu.memory_space<vmem>>
        %dma_start3A_603 = tpu.memref_squeeze %dma_start3A_602 : memref<1x128x64xf32, #tpu.memory_space<vmem>> -> memref<128x64xf32, #tpu.memory_space<vmem>>
        %dma_start3A_604 = arith.constant 0 : i32
        %dma_start3A_605 = tpu.memref_slice %arg5[%add3A_598, %dma_start3A_604] : memref<128x200xi32, #tpu.memory_space<vmem>> -> memref<1x128xi32, #tpu.memory_space<vmem>>
        %dma_start3A_606 = tpu.memref_squeeze %dma_start3A_605 : memref<1x128xi32, #tpu.memory_space<vmem>> -> memref<128xi32, #tpu.memory_space<vmem>>
        %dma_start3A_607 = arith.constant 0 : i32
        %dma_start3A_608 = arith.constant 0 : i32
        %dma_start3A_609 = tpu.memref_slice %arg2[%dma_start3A_607, %dma_start3A_608] : memref<1000000x64xf32, #tpu.memory_space<hbm>> -> memref<1000000x64xf32, #tpu.memory_space<hbm>>
        tpu.enqueue_indirect_dma source(%dma_start3A_609 : memref<1000000x64xf32, #tpu.memory_space<hbm>>) target(%dma_start3A_603 : memref<128x64xf32, #tpu.memory_space<vmem>>) offsets(%dma_start3A_606 : memref<128xi32, #tpu.memory_space<vmem>>) semaphore(%arg10 : memref<!tpu.dma_semaphore, #tpu.memory_space<semaphore_mem>>)
        %dma_start3A_610 = arith.constant 3 : i32
        %dma_start3A_611 = arith.constant 128 : i32
        %dma_start3A_612 = arith.constant 0 : i32
        %dma_start3A_613 = tpu.memref_slice %arg6[%dma_start3A_610, %dma_start3A_611, %dma_start3A_612] : memref<8x200x64xf32, #tpu.memory_space<vmem>> -> memref<1x72x64xf32, #tpu.memory_space<vmem>>
        %dma_start3A_614 = tpu.memref_squeeze %dma_start3A_613 : memref<1x72x64xf32, #tpu.memory_space<vmem>> -> memref<72x64xf32, #tpu.memory_space<vmem>>
        %dma_start3A_615 = arith.constant 128 : i32
        %dma_start3A_616 = tpu.memref_slice %arg5[%add3A_598, %dma_start3A_615] : memref<128x200xi32, #tpu.memory_space<vmem>> -> memref<1x72xi32, #tpu.memory_space<vmem>>
        %dma_start3A_617 = tpu.memref_squeeze %dma_start3A_616 : memref<1x72xi32, #tpu.memory_space<vmem>> -> memref<72xi32, #tpu.memory_space<vmem>>
        %dma_start3A_618 = arith.constant 0 : i32
        %dma_start3A_619 = arith.constant 0 : i32
        %dma_start3A_620 = tpu.memref_slice %arg2[%dma_start3A_618, %dma_start3A_619] : memref<1000000x64xf32, #tpu.memory_space<hbm>> -> memref<1000000x64xf32, #tpu.memory_space<hbm>>
        tpu.enqueue_indirect_dma source(%dma_start3A_620 : memref<1000000x64xf32, #tpu.memory_space<hbm>>) target(%dma_start3A_614 : memref<72x64xf32, #tpu.memory_space<vmem>>) offsets(%dma_start3A_617 : memref<72xi32, #tpu.memory_space<vmem>>) semaphore(%arg10 : memref<!tpu.dma_semaphore, #tpu.memory_space<semaphore_mem>>)
      } else {
      }
      %dma_wait3A_519 = arith.constant 0 : i32
      %dma_wait3A_520 = arith.constant 6 : i32
      %dma_wait3A_521 = arith.constant 0 : i32
      %dma_wait3A_522 = arith.constant 0 : i32
      %dma_wait3A_523 = tpu.memref_slice %arg6[%dma_wait3A_520, %dma_wait3A_521, %dma_wait3A_522] : memref<8x200x64xf32, #tpu.memory_space<vmem>> -> memref<1x200x64xf32, #tpu.memory_space<vmem>>
      %dma_wait3A_524 = tpu.memref_squeeze %dma_wait3A_523 : memref<1x200x64xf32, #tpu.memory_space<vmem>> -> memref<200x64xf32, #tpu.memory_space<vmem>>
      %dma_wait3A_525 = arith.constant 0 : i32
      %dma_wait3A_526 = tpu.memref_slice %arg5[%dma_wait3A_519, %dma_wait3A_525] : memref<128x200xi32, #tpu.memory_space<vmem>> -> memref<1x200xi32, #tpu.memory_space<vmem>>
      %dma_wait3A_527 = tpu.memref_squeeze %dma_wait3A_526 : memref<1x200xi32, #tpu.memory_space<vmem>> -> memref<200xi32, #tpu.memory_space<vmem>>
      %dma_wait3A_528 = arith.constant 0 : i32
      %dma_wait3A_529 = arith.constant 0 : i32
      %dma_wait3A_530 = tpu.memref_slice %arg2[%dma_wait3A_528, %dma_wait3A_529] : memref<1000000x64xf32, #tpu.memory_space<hbm>> -> memref<1000000x64xf32, #tpu.memory_space<hbm>>
      tpu.wait_indirect_dma semaphore(%arg13 : memref<!tpu.dma_semaphore, #tpu.memory_space<semaphore_mem>>) src(%dma_wait3A_530 : memref<1000000x64xf32, #tpu.memory_space<hbm>>) dst(%dma_wait3A_524 : memref<200x64xf32, #tpu.memory_space<vmem>>)
      %add3A_531 = arith.addi %mul3A_2, %add3A_511 : i32
      %dma_start3A_532 = arith.constant 6 : i32
      %dma_start3A_533 = arith.constant 0 : i32
      %dma_start3A_534 = arith.constant 0 : i32
      %dma_start3A_535 = tpu.memref_slice %arg6[%dma_start3A_532, %dma_start3A_533, %dma_start3A_534] : memref<8x200x64xf32, #tpu.memory_space<vmem>> -> memref<1x200x64xf32, #tpu.memory_space<vmem>>
      %dma_start3A_536 = tpu.memref_squeeze %dma_start3A_535 : memref<1x200x64xf32, #tpu.memory_space<vmem>> -> memref<200x64xf32, #tpu.memory_space<vmem>>
      %dma_start3A_537 = arith.constant 0 : i32
      %dma_start3A_538 = arith.constant 0 : i32
      %dma_start3A_539 = tpu.memref_slice %arg4[%add3A_531, %dma_start3A_537, %dma_start3A_538] : memref<4096x200x64xf32, #tpu.memory_space<hbm>> -> memref<1x200x64xf32, #tpu.memory_space<hbm>>
      %dma_start3A_540 = tpu.memref_squeeze %dma_start3A_539 : memref<1x200x64xf32, #tpu.memory_space<hbm>> -> memref<200x64xf32, #tpu.memory_space<hbm>>
      %dma_start3A_541 = arith.constant 0 : i32
      %dma_start3A_542 = arith.constant 0 : i32
      %dma_start3A_543 = tpu.memref_slice %arg4[%add3A_531, %dma_start3A_541, %dma_start3A_542] : memref<4096x200x64xf32, #tpu.memory_space<hbm>> -> memref<1x200x64xf32, #tpu.memory_space<hbm>>
      %dma_start3A_544 = tpu.memref_squeeze %dma_start3A_543 : memref<1x200x64xf32, #tpu.memory_space<hbm>> -> memref<200x64xf32, #tpu.memory_space<hbm>>
      %dma_start3A_545 = arith.constant 0 : i32
      %dma_start3A_546 = arith.constant 0 : i32
      %dma_start3A_547 = tpu.memref_slice %arg6[%dma_start3A_532, %dma_start3A_545, %dma_start3A_546] : memref<8x200x64xf32, #tpu.memory_space<vmem>> -> memref<1x200x64xf32, #tpu.memory_space<vmem>>
      %dma_start3A_548 = tpu.memref_squeeze %dma_start3A_547 : memref<1x200x64xf32, #tpu.memory_space<vmem>> -> memref<200x64xf32, #tpu.memory_space<vmem>>
      tpu.enqueue_dma source(%dma_start3A_548 : memref<200x64xf32, #tpu.memory_space<vmem>>) target(%dma_start3A_544 : memref<200x64xf32, #tpu.memory_space<hbm>>) target_semaphore(%arg21 : memref<!tpu.dma_semaphore, #tpu.memory_space<semaphore_mem>>)
      %mul3A_549 = arith.constant 8 : i32
      %mul3A_550 = arith.muli %scan3A_263, %mul3A_549 : i32
      %add3A_551 = arith.constant 7 : i32
      %add3A_552 = arith.addi %mul3A_550, %add3A_551 : i32
      %add3A_553 = arith.constant 5 : i32
      %add3A_554 = arith.addi %add3A_552, %add3A_553 : i32
      %lt3A_555 = arith.constant 128 : i32
      %lt3A_556 = arith.cmpi slt, %add3A_554, %lt3A_555 : i32
      %convert_element_type3A_557 = arith.extui %lt3A_556 : i1 to i32
      %cond3A_558 = arith.constant 0 : i32
      %cond3A_559 = arith.cmpi ne, %convert_element_type3A_557, %cond3A_558 : i32
      scf.if %cond3A_559 {
        %add3A_591 = arith.constant 5 : i32
        %add3A_592 = arith.addi %add3A_552, %add3A_591 : i32
        %ge3A = arith.constant 8 : i32
        %ge3A_593 = arith.cmpi sge, %add3A_592, %ge3A : i32
        %convert_element_type3A_594 = arith.extui %ge3A_593 : i1 to i32
        %cond3A_595 = arith.constant 0 : i32
        %cond3A_596 = arith.cmpi ne, %convert_element_type3A_594, %cond3A_595 : i32
        scf.if %cond3A_596 {
          %dma_wait3A_621 = arith.constant 4 : i32
          %dma_wait3A_622 = arith.constant 0 : i32
          %dma_wait3A_623 = arith.constant 0 : i32
          %dma_wait3A_624 = tpu.memref_slice %arg6[%dma_wait3A_621, %dma_wait3A_622, %dma_wait3A_623] : memref<8x200x64xf32, #tpu.memory_space<vmem>> -> memref<1x200x64xf32, #tpu.memory_space<vmem>>
          %dma_wait3A_625 = tpu.memref_squeeze %dma_wait3A_624 : memref<1x200x64xf32, #tpu.memory_space<vmem>> -> memref<200x64xf32, #tpu.memory_space<vmem>>
          %dma_wait3A_626 = arith.constant 0 : i32
          %dma_wait3A_627 = arith.constant 0 : i32
          %dma_wait3A_628 = tpu.memref_slice %arg4[%mul3A_2, %dma_wait3A_626, %dma_wait3A_627] : memref<4096x200x64xf32, #tpu.memory_space<hbm>> -> memref<1x200x64xf32, #tpu.memory_space<hbm>>
          %dma_wait3A_629 = tpu.memref_squeeze %dma_wait3A_628 : memref<1x200x64xf32, #tpu.memory_space<hbm>> -> memref<200x64xf32, #tpu.memory_space<hbm>>
          %dma_wait3A_630 = arith.constant 0 : i32
          %dma_wait3A_631 = arith.constant 0 : i32
          %dma_wait3A_632 = tpu.memref_slice %arg4[%mul3A_2, %dma_wait3A_630, %dma_wait3A_631] : memref<4096x200x64xf32, #tpu.memory_space<hbm>> -> memref<1x200x64xf32, #tpu.memory_space<hbm>>
          %dma_wait3A_633 = tpu.memref_squeeze %dma_wait3A_632 : memref<1x200x64xf32, #tpu.memory_space<hbm>> -> memref<200x64xf32, #tpu.memory_space<hbm>>
          %dma_wait3A_634 = arith.constant 0 : i32
          %dma_wait3A_635 = arith.constant 0 : i32
          %dma_wait3A_636 = tpu.memref_slice %arg6[%dma_wait3A_621, %dma_wait3A_634, %dma_wait3A_635] : memref<8x200x64xf32, #tpu.memory_space<vmem>> -> memref<1x200x64xf32, #tpu.memory_space<vmem>>
          %dma_wait3A_637 = tpu.memref_squeeze %dma_wait3A_636 : memref<1x200x64xf32, #tpu.memory_space<vmem>> -> memref<200x64xf32, #tpu.memory_space<vmem>>
          tpu.wait_dma2 semaphore(%arg19 : memref<!tpu.dma_semaphore, #tpu.memory_space<semaphore_mem>>) src(%dma_wait3A_637 : memref<200x64xf32, #tpu.memory_space<vmem>>) dst(%dma_wait3A_633 : memref<200x64xf32, #tpu.memory_space<hbm>>)
        } else {
        }
        %add3A_597 = arith.constant 5 : i32
        %add3A_598 = arith.addi %add3A_552, %add3A_597 : i32
        %dma_start3A_599 = arith.constant 4 : i32
        %dma_start3A_600 = arith.constant 0 : i32
        %dma_start3A_601 = arith.constant 0 : i32
        %dma_start3A_602 = tpu.memref_slice %arg6[%dma_start3A_599, %dma_start3A_600, %dma_start3A_601] : memref<8x200x64xf32, #tpu.memory_space<vmem>> -> memref<1x128x64xf32, #tpu.memory_space<vmem>>
        %dma_start3A_603 = tpu.memref_squeeze %dma_start3A_602 : memref<1x128x64xf32, #tpu.memory_space<vmem>> -> memref<128x64xf32, #tpu.memory_space<vmem>>
        %dma_start3A_604 = arith.constant 0 : i32
        %dma_start3A_605 = tpu.memref_slice %arg5[%add3A_598, %dma_start3A_604] : memref<128x200xi32, #tpu.memory_space<vmem>> -> memref<1x128xi32, #tpu.memory_space<vmem>>
        %dma_start3A_606 = tpu.memref_squeeze %dma_start3A_605 : memref<1x128xi32, #tpu.memory_space<vmem>> -> memref<128xi32, #tpu.memory_space<vmem>>
        %dma_start3A_607 = arith.constant 0 : i32
        %dma_start3A_608 = arith.constant 0 : i32
        %dma_start3A_609 = tpu.memref_slice %arg2[%dma_start3A_607, %dma_start3A_608] : memref<1000000x64xf32, #tpu.memory_space<hbm>> -> memref<1000000x64xf32, #tpu.memory_space<hbm>>
        tpu.enqueue_indirect_dma source(%dma_start3A_609 : memref<1000000x64xf32, #tpu.memory_space<hbm>>) target(%dma_start3A_603 : memref<128x64xf32, #tpu.memory_space<vmem>>) offsets(%dma_start3A_606 : memref<128xi32, #tpu.memory_space<vmem>>) semaphore(%arg11 : memref<!tpu.dma_semaphore, #tpu.memory_space<semaphore_mem>>)
        %dma_start3A_610 = arith.constant 4 : i32
        %dma_start3A_611 = arith.constant 128 : i32
        %dma_start3A_612 = arith.constant 0 : i32
        %dma_start3A_613 = tpu.memref_slice %arg6[%dma_start3A_610, %dma_start3A_611, %dma_start3A_612] : memref<8x200x64xf32, #tpu.memory_space<vmem>> -> memref<1x72x64xf32, #tpu.memory_space<vmem>>
        %dma_start3A_614 = tpu.memref_squeeze %dma_start3A_613 : memref<1x72x64xf32, #tpu.memory_space<vmem>> -> memref<72x64xf32, #tpu.memory_space<vmem>>
        %dma_start3A_615 = arith.constant 128 : i32
        %dma_start3A_616 = tpu.memref_slice %arg5[%add3A_598, %dma_start3A_615] : memref<128x200xi32, #tpu.memory_space<vmem>> -> memref<1x72xi32, #tpu.memory_space<vmem>>
        %dma_start3A_617 = tpu.memref_squeeze %dma_start3A_616 : memref<1x72xi32, #tpu.memory_space<vmem>> -> memref<72xi32, #tpu.memory_space<vmem>>
        %dma_start3A_618 = arith.constant 0 : i32
        %dma_start3A_619 = arith.constant 0 : i32
        %dma_start3A_620 = tpu.memref_slice %arg2[%dma_start3A_618, %dma_start3A_619] : memref<1000000x64xf32, #tpu.memory_space<hbm>> -> memref<1000000x64xf32, #tpu.memory_space<hbm>>
        tpu.enqueue_indirect_dma source(%dma_start3A_620 : memref<1000000x64xf32, #tpu.memory_space<hbm>>) target(%dma_start3A_614 : memref<72x64xf32, #tpu.memory_space<vmem>>) offsets(%dma_start3A_617 : memref<72xi32, #tpu.memory_space<vmem>>) semaphore(%arg11 : memref<!tpu.dma_semaphore, #tpu.memory_space<semaphore_mem>>)
      } else {
      }
      %dma_wait3A_560 = arith.constant 0 : i32
      %dma_wait3A_561 = arith.constant 7 : i32
      %dma_wait3A_562 = arith.constant 0 : i32
      %dma_wait3A_563 = arith.constant 0 : i32
      %dma_wait3A_564 = tpu.memref_slice %arg6[%dma_wait3A_561, %dma_wait3A_562, %dma_wait3A_563] : memref<8x200x64xf32, #tpu.memory_space<vmem>> -> memref<1x200x64xf32, #tpu.memory_space<vmem>>
      %dma_wait3A_565 = tpu.memref_squeeze %dma_wait3A_564 : memref<1x200x64xf32, #tpu.memory_space<vmem>> -> memref<200x64xf32, #tpu.memory_space<vmem>>
      %dma_wait3A_566 = arith.constant 0 : i32
      %dma_wait3A_567 = tpu.memref_slice %arg5[%dma_wait3A_560, %dma_wait3A_566] : memref<128x200xi32, #tpu.memory_space<vmem>> -> memref<1x200xi32, #tpu.memory_space<vmem>>
      %dma_wait3A_568 = tpu.memref_squeeze %dma_wait3A_567 : memref<1x200xi32, #tpu.memory_space<vmem>> -> memref<200xi32, #tpu.memory_space<vmem>>
      %dma_wait3A_569 = arith.constant 0 : i32
      %dma_wait3A_570 = arith.constant 0 : i32
      %dma_wait3A_571 = tpu.memref_slice %arg2[%dma_wait3A_569, %dma_wait3A_570] : memref<1000000x64xf32, #tpu.memory_space<hbm>> -> memref<1000000x64xf32, #tpu.memory_space<hbm>>
      tpu.wait_indirect_dma semaphore(%arg14 : memref<!tpu.dma_semaphore, #tpu.memory_space<semaphore_mem>>) src(%dma_wait3A_571 : memref<1000000x64xf32, #tpu.memory_space<hbm>>) dst(%dma_wait3A_565 : memref<200x64xf32, #tpu.memory_space<vmem>>)
      %add3A_572 = arith.addi %mul3A_2, %add3A_552 : i32
      %dma_start3A_573 = arith.constant 7 : i32
      %dma_start3A_574 = arith.constant 0 : i32
      %dma_start3A_575 = arith.constant 0 : i32
      %dma_start3A_576 = tpu.memref_slice %arg6[%dma_start3A_573, %dma_start3A_574, %dma_start3A_575] : memref<8x200x64xf32, #tpu.memory_space<vmem>> -> memref<1x200x64xf32, #tpu.memory_space<vmem>>
      %dma_start3A_577 = tpu.memref_squeeze %dma_start3A_576 : memref<1x200x64xf32, #tpu.memory_space<vmem>> -> memref<200x64xf32, #tpu.memory_space<vmem>>
      %dma_start3A_578 = arith.constant 0 : i32
      %dma_start3A_579 = arith.constant 0 : i32
      %dma_start3A_580 = tpu.memref_slice %arg4[%add3A_572, %dma_start3A_578, %dma_start3A_579] : memref<4096x200x64xf32, #tpu.memory_space<hbm>> -> memref<1x200x64xf32, #tpu.memory_space<hbm>>
      %dma_start3A_581 = tpu.memref_squeeze %dma_start3A_580 : memref<1x200x64xf32, #tpu.memory_space<hbm>> -> memref<200x64xf32, #tpu.memory_space<hbm>>
      %dma_start3A_582 = arith.constant 0 : i32
      %dma_start3A_583 = arith.constant 0 : i32
      %dma_start3A_584 = tpu.memref_slice %arg4[%add3A_572, %dma_start3A_582, %dma_start3A_583] : memref<4096x200x64xf32, #tpu.memory_space<hbm>> -> memref<1x200x64xf32, #tpu.memory_space<hbm>>
      %dma_start3A_585 = tpu.memref_squeeze %dma_start3A_584 : memref<1x200x64xf32, #tpu.memory_space<hbm>> -> memref<200x64xf32, #tpu.memory_space<hbm>>
      %dma_start3A_586 = arith.constant 0 : i32
      %dma_start3A_587 = arith.constant 0 : i32
      %dma_start3A_588 = tpu.memref_slice %arg6[%dma_start3A_573, %dma_start3A_586, %dma_start3A_587] : memref<8x200x64xf32, #tpu.memory_space<vmem>> -> memref<1x200x64xf32, #tpu.memory_space<vmem>>
      %dma_start3A_589 = tpu.memref_squeeze %dma_start3A_588 : memref<1x200x64xf32, #tpu.memory_space<vmem>> -> memref<200x64xf32, #tpu.memory_space<vmem>>
      tpu.enqueue_dma source(%dma_start3A_589 : memref<200x64xf32, #tpu.memory_space<vmem>>) target(%dma_start3A_585 : memref<200x64xf32, #tpu.memory_space<hbm>>) target_semaphore(%arg22 : memref<!tpu.dma_semaphore, #tpu.memory_space<semaphore_mem>>)
      %scan3A_590 = arith.constant 0 : i32
      scf.yield %scan3A_590 : i32
    }
    %scan3A_127 = arith.constant 16 : i32
    %dma_wait3A = arith.constant 0 : i32
    %dma_wait3A_128 = arith.constant 0 : i32
    %dma_wait3A_129 = arith.constant 0 : i32
    %dma_wait3A_130 = tpu.memref_slice %arg6[%dma_wait3A, %dma_wait3A_128, %dma_wait3A_129] : memref<8x200x64xf32, #tpu.memory_space<vmem>> -> memref<1x200x64xf32, #tpu.memory_space<vmem>>
    %dma_wait3A_131 = tpu.memref_squeeze %dma_wait3A_130 : memref<1x200x64xf32, #tpu.memory_space<vmem>> -> memref<200x64xf32, #tpu.memory_space<vmem>>
    %dma_wait3A_132 = arith.constant 0 : i32
    %dma_wait3A_133 = arith.constant 0 : i32
    %dma_wait3A_134 = tpu.memref_slice %arg4[%mul3A_2, %dma_wait3A_132, %dma_wait3A_133] : memref<4096x200x64xf32, #tpu.memory_space<hbm>> -> memref<1x200x64xf32, #tpu.memory_space<hbm>>
    %dma_wait3A_135 = tpu.memref_squeeze %dma_wait3A_134 : memref<1x200x64xf32, #tpu.memory_space<hbm>> -> memref<200x64xf32, #tpu.memory_space<hbm>>
    %dma_wait3A_136 = arith.constant 0 : i32
    %dma_wait3A_137 = arith.constant 0 : i32
    %dma_wait3A_138 = tpu.memref_slice %arg4[%mul3A_2, %dma_wait3A_136, %dma_wait3A_137] : memref<4096x200x64xf32, #tpu.memory_space<hbm>> -> memref<1x200x64xf32, #tpu.memory_space<hbm>>
    %dma_wait3A_139 = tpu.memref_squeeze %dma_wait3A_138 : memref<1x200x64xf32, #tpu.memory_space<hbm>> -> memref<200x64xf32, #tpu.memory_space<hbm>>
    %dma_wait3A_140 = arith.constant 0 : i32
    %dma_wait3A_141 = arith.constant 0 : i32
    %dma_wait3A_142 = tpu.memref_slice %arg6[%dma_wait3A, %dma_wait3A_140, %dma_wait3A_141] : memref<8x200x64xf32, #tpu.memory_space<vmem>> -> memref<1x200x64xf32, #tpu.memory_space<vmem>>
    %dma_wait3A_143 = tpu.memref_squeeze %dma_wait3A_142 : memref<1x200x64xf32, #tpu.memory_space<vmem>> -> memref<200x64xf32, #tpu.memory_space<vmem>>
    tpu.wait_dma2 semaphore(%arg15 : memref<!tpu.dma_semaphore, #tpu.memory_space<semaphore_mem>>) src(%dma_wait3A_143 : memref<200x64xf32, #tpu.memory_space<vmem>>) dst(%dma_wait3A_139 : memref<200x64xf32, #tpu.memory_space<hbm>>)
    %dma_wait3A_144 = arith.constant 1 : i32
    %dma_wait3A_145 = arith.constant 0 : i32
    %dma_wait3A_146 = arith.constant 0 : i32
    %dma_wait3A_147 = tpu.memref_slice %arg6[%dma_wait3A_144, %dma_wait3A_145, %dma_wait3A_146] : memref<8x200x64xf32, #tpu.memory_space<vmem>> -> memref<1x200x64xf32, #tpu.memory_space<vmem>>
    %dma_wait3A_148 = tpu.memref_squeeze %dma_wait3A_147 : memref<1x200x64xf32, #tpu.memory_space<vmem>> -> memref<200x64xf32, #tpu.memory_space<vmem>>
    %dma_wait3A_149 = arith.constant 0 : i32
    %dma_wait3A_150 = arith.constant 0 : i32
    %dma_wait3A_151 = tpu.memref_slice %arg4[%mul3A_2, %dma_wait3A_149, %dma_wait3A_150] : memref<4096x200x64xf32, #tpu.memory_space<hbm>> -> memref<1x200x64xf32, #tpu.memory_space<hbm>>
    %dma_wait3A_152 = tpu.memref_squeeze %dma_wait3A_151 : memref<1x200x64xf32, #tpu.memory_space<hbm>> -> memref<200x64xf32, #tpu.memory_space<hbm>>
    %dma_wait3A_153 = arith.constant 0 : i32
    %dma_wait3A_154 = arith.constant 0 : i32
    %dma_wait3A_155 = tpu.memref_slice %arg4[%mul3A_2, %dma_wait3A_153, %dma_wait3A_154] : memref<4096x200x64xf32, #tpu.memory_space<hbm>> -> memref<1x200x64xf32, #tpu.memory_space<hbm>>
    %dma_wait3A_156 = tpu.memref_squeeze %dma_wait3A_155 : memref<1x200x64xf32, #tpu.memory_space<hbm>> -> memref<200x64xf32, #tpu.memory_space<hbm>>
    %dma_wait3A_157 = arith.constant 0 : i32
    %dma_wait3A_158 = arith.constant 0 : i32
    %dma_wait3A_159 = tpu.memref_slice %arg6[%dma_wait3A_144, %dma_wait3A_157, %dma_wait3A_158] : memref<8x200x64xf32, #tpu.memory_space<vmem>> -> memref<1x200x64xf32, #tpu.memory_space<vmem>>
    %dma_wait3A_160 = tpu.memref_squeeze %dma_wait3A_159 : memref<1x200x64xf32, #tpu.memory_space<vmem>> -> memref<200x64xf32, #tpu.memory_space<vmem>>
    tpu.wait_dma2 semaphore(%arg16 : memref<!tpu.dma_semaphore, #tpu.memory_space<semaphore_mem>>) src(%dma_wait3A_160 : memref<200x64xf32, #tpu.memory_space<vmem>>) dst(%dma_wait3A_156 : memref<200x64xf32, #tpu.memory_space<hbm>>)
    %dma_wait3A_161 = arith.constant 2 : i32
    %dma_wait3A_162 = arith.constant 0 : i32
    %dma_wait3A_163 = arith.constant 0 : i32
    %dma_wait3A_164 = tpu.memref_slice %arg6[%dma_wait3A_161, %dma_wait3A_162, %dma_wait3A_163] : memref<8x200x64xf32, #tpu.memory_space<vmem>> -> memref<1x200x64xf32, #tpu.memory_space<vmem>>
    %dma_wait3A_165 = tpu.memref_squeeze %dma_wait3A_164 : memref<1x200x64xf32, #tpu.memory_space<vmem>> -> memref<200x64xf32, #tpu.memory_space<vmem>>
    %dma_wait3A_166 = arith.constant 0 : i32
    %dma_wait3A_167 = arith.constant 0 : i32
    %dma_wait3A_168 = tpu.memref_slice %arg4[%mul3A_2, %dma_wait3A_166, %dma_wait3A_167] : memref<4096x200x64xf32, #tpu.memory_space<hbm>> -> memref<1x200x64xf32, #tpu.memory_space<hbm>>
    %dma_wait3A_169 = tpu.memref_squeeze %dma_wait3A_168 : memref<1x200x64xf32, #tpu.memory_space<hbm>> -> memref<200x64xf32, #tpu.memory_space<hbm>>
    %dma_wait3A_170 = arith.constant 0 : i32
    %dma_wait3A_171 = arith.constant 0 : i32
    %dma_wait3A_172 = tpu.memref_slice %arg4[%mul3A_2, %dma_wait3A_170, %dma_wait3A_171] : memref<4096x200x64xf32, #tpu.memory_space<hbm>> -> memref<1x200x64xf32, #tpu.memory_space<hbm>>
    %dma_wait3A_173 = tpu.memref_squeeze %dma_wait3A_172 : memref<1x200x64xf32, #tpu.memory_space<hbm>> -> memref<200x64xf32, #tpu.memory_space<hbm>>
    %dma_wait3A_174 = arith.constant 0 : i32
    %dma_wait3A_175 = arith.constant 0 : i32
    %dma_wait3A_176 = tpu.memref_slice %arg6[%dma_wait3A_161, %dma_wait3A_174, %dma_wait3A_175] : memref<8x200x64xf32, #tpu.memory_space<vmem>> -> memref<1x200x64xf32, #tpu.memory_space<vmem>>
    %dma_wait3A_177 = tpu.memref_squeeze %dma_wait3A_176 : memref<1x200x64xf32, #tpu.memory_space<vmem>> -> memref<200x64xf32, #tpu.memory_space<vmem>>
    tpu.wait_dma2 semaphore(%arg17 : memref<!tpu.dma_semaphore, #tpu.memory_space<semaphore_mem>>) src(%dma_wait3A_177 : memref<200x64xf32, #tpu.memory_space<vmem>>) dst(%dma_wait3A_173 : memref<200x64xf32, #tpu.memory_space<hbm>>)
    %dma_wait3A_178 = arith.constant 3 : i32
    %dma_wait3A_179 = arith.constant 0 : i32
    %dma_wait3A_180 = arith.constant 0 : i32
    %dma_wait3A_181 = tpu.memref_slice %arg6[%dma_wait3A_178, %dma_wait3A_179, %dma_wait3A_180] : memref<8x200x64xf32, #tpu.memory_space<vmem>> -> memref<1x200x64xf32, #tpu.memory_space<vmem>>
    %dma_wait3A_182 = tpu.memref_squeeze %dma_wait3A_181 : memref<1x200x64xf32, #tpu.memory_space<vmem>> -> memref<200x64xf32, #tpu.memory_space<vmem>>
    %dma_wait3A_183 = arith.constant 0 : i32
    %dma_wait3A_184 = arith.constant 0 : i32
    %dma_wait3A_185 = tpu.memref_slice %arg4[%mul3A_2, %dma_wait3A_183, %dma_wait3A_184] : memref<4096x200x64xf32, #tpu.memory_space<hbm>> -> memref<1x200x64xf32, #tpu.memory_space<hbm>>
    %dma_wait3A_186 = tpu.memref_squeeze %dma_wait3A_185 : memref<1x200x64xf32, #tpu.memory_space<hbm>> -> memref<200x64xf32, #tpu.memory_space<hbm>>
    %dma_wait3A_187 = arith.constant 0 : i32
    %dma_wait3A_188 = arith.constant 0 : i32
    %dma_wait3A_189 = tpu.memref_slice %arg4[%mul3A_2, %dma_wait3A_187, %dma_wait3A_188] : memref<4096x200x64xf32, #tpu.memory_space<hbm>> -> memref<1x200x64xf32, #tpu.memory_space<hbm>>
    %dma_wait3A_190 = tpu.memref_squeeze %dma_wait3A_189 : memref<1x200x64xf32, #tpu.memory_space<hbm>> -> memref<200x64xf32, #tpu.memory_space<hbm>>
    %dma_wait3A_191 = arith.constant 0 : i32
    %dma_wait3A_192 = arith.constant 0 : i32
    %dma_wait3A_193 = tpu.memref_slice %arg6[%dma_wait3A_178, %dma_wait3A_191, %dma_wait3A_192] : memref<8x200x64xf32, #tpu.memory_space<vmem>> -> memref<1x200x64xf32, #tpu.memory_space<vmem>>
    %dma_wait3A_194 = tpu.memref_squeeze %dma_wait3A_193 : memref<1x200x64xf32, #tpu.memory_space<vmem>> -> memref<200x64xf32, #tpu.memory_space<vmem>>
    tpu.wait_dma2 semaphore(%arg18 : memref<!tpu.dma_semaphore, #tpu.memory_space<semaphore_mem>>) src(%dma_wait3A_194 : memref<200x64xf32, #tpu.memory_space<vmem>>) dst(%dma_wait3A_190 : memref<200x64xf32, #tpu.memory_space<hbm>>)
    %dma_wait3A_195 = arith.constant 4 : i32
    %dma_wait3A_196 = arith.constant 0 : i32
    %dma_wait3A_197 = arith.constant 0 : i32
    %dma_wait3A_198 = tpu.memref_slice %arg6[%dma_wait3A_195, %dma_wait3A_196, %dma_wait3A_197] : memref<8x200x64xf32, #tpu.memory_space<vmem>> -> memref<1x200x64xf32, #tpu.memory_space<vmem>>
    %dma_wait3A_199 = tpu.memref_squeeze %dma_wait3A_198 : memref<1x200x64xf32, #tpu.memory_space<vmem>> -> memref<200x64xf32, #tpu.memory_space<vmem>>
    %dma_wait3A_200 = arith.constant 0 : i32
    %dma_wait3A_201 = arith.constant 0 : i32
    %dma_wait3A_202 = tpu.memref_slice %arg4[%mul3A_2, %dma_wait3A_200, %dma_wait3A_201] : memref<4096x200x64xf32, #tpu.memory_space<hbm>> -> memref<1x200x64xf32, #tpu.memory_space<hbm>>
    %dma_wait3A_203 = tpu.memref_squeeze %dma_wait3A_202 : memref<1x200x64xf32, #tpu.memory_space<hbm>> -> memref<200x64xf32, #tpu.memory_space<hbm>>
    %dma_wait3A_204 = arith.constant 0 : i32
    %dma_wait3A_205 = arith.constant 0 : i32
    %dma_wait3A_206 = tpu.memref_slice %arg4[%mul3A_2, %dma_wait3A_204, %dma_wait3A_205] : memref<4096x200x64xf32, #tpu.memory_space<hbm>> -> memref<1x200x64xf32, #tpu.memory_space<hbm>>
    %dma_wait3A_207 = tpu.memref_squeeze %dma_wait3A_206 : memref<1x200x64xf32, #tpu.memory_space<hbm>> -> memref<200x64xf32, #tpu.memory_space<hbm>>
    %dma_wait3A_208 = arith.constant 0 : i32
    %dma_wait3A_209 = arith.constant 0 : i32
    %dma_wait3A_210 = tpu.memref_slice %arg6[%dma_wait3A_195, %dma_wait3A_208, %dma_wait3A_209] : memref<8x200x64xf32, #tpu.memory_space<vmem>> -> memref<1x200x64xf32, #tpu.memory_space<vmem>>
    %dma_wait3A_211 = tpu.memref_squeeze %dma_wait3A_210 : memref<1x200x64xf32, #tpu.memory_space<vmem>> -> memref<200x64xf32, #tpu.memory_space<vmem>>
    tpu.wait_dma2 semaphore(%arg19 : memref<!tpu.dma_semaphore, #tpu.memory_space<semaphore_mem>>) src(%dma_wait3A_211 : memref<200x64xf32, #tpu.memory_space<vmem>>) dst(%dma_wait3A_207 : memref<200x64xf32, #tpu.memory_space<hbm>>)
    %dma_wait3A_212 = arith.constant 5 : i32
    %dma_wait3A_213 = arith.constant 0 : i32
    %dma_wait3A_214 = arith.constant 0 : i32
    %dma_wait3A_215 = tpu.memref_slice %arg6[%dma_wait3A_212, %dma_wait3A_213, %dma_wait3A_214] : memref<8x200x64xf32, #tpu.memory_space<vmem>> -> memref<1x200x64xf32, #tpu.memory_space<vmem>>
    %dma_wait3A_216 = tpu.memref_squeeze %dma_wait3A_215 : memref<1x200x64xf32, #tpu.memory_space<vmem>> -> memref<200x64xf32, #tpu.memory_space<vmem>>
    %dma_wait3A_217 = arith.constant 0 : i32
    %dma_wait3A_218 = arith.constant 0 : i32
    %dma_wait3A_219 = tpu.memref_slice %arg4[%mul3A_2, %dma_wait3A_217, %dma_wait3A_218] : memref<4096x200x64xf32, #tpu.memory_space<hbm>> -> memref<1x200x64xf32, #tpu.memory_space<hbm>>
    %dma_wait3A_220 = tpu.memref_squeeze %dma_wait3A_219 : memref<1x200x64xf32, #tpu.memory_space<hbm>> -> memref<200x64xf32, #tpu.memory_space<hbm>>
    %dma_wait3A_221 = arith.constant 0 : i32
    %dma_wait3A_222 = arith.constant 0 : i32
    %dma_wait3A_223 = tpu.memref_slice %arg4[%mul3A_2, %dma_wait3A_221, %dma_wait3A_222] : memref<4096x200x64xf32, #tpu.memory_space<hbm>> -> memref<1x200x64xf32, #tpu.memory_space<hbm>>
    %dma_wait3A_224 = tpu.memref_squeeze %dma_wait3A_223 : memref<1x200x64xf32, #tpu.memory_space<hbm>> -> memref<200x64xf32, #tpu.memory_space<hbm>>
    %dma_wait3A_225 = arith.constant 0 : i32
    %dma_wait3A_226 = arith.constant 0 : i32
    %dma_wait3A_227 = tpu.memref_slice %arg6[%dma_wait3A_212, %dma_wait3A_225, %dma_wait3A_226] : memref<8x200x64xf32, #tpu.memory_space<vmem>> -> memref<1x200x64xf32, #tpu.memory_space<vmem>>
    %dma_wait3A_228 = tpu.memref_squeeze %dma_wait3A_227 : memref<1x200x64xf32, #tpu.memory_space<vmem>> -> memref<200x64xf32, #tpu.memory_space<vmem>>
    tpu.wait_dma2 semaphore(%arg20 : memref<!tpu.dma_semaphore, #tpu.memory_space<semaphore_mem>>) src(%dma_wait3A_228 : memref<200x64xf32, #tpu.memory_space<vmem>>) dst(%dma_wait3A_224 : memref<200x64xf32, #tpu.memory_space<hbm>>)
    %dma_wait3A_229 = arith.constant 6 : i32
    %dma_wait3A_230 = arith.constant 0 : i32
    %dma_wait3A_231 = arith.constant 0 : i32
    %dma_wait3A_232 = tpu.memref_slice %arg6[%dma_wait3A_229, %dma_wait3A_230, %dma_wait3A_231] : memref<8x200x64xf32, #tpu.memory_space<vmem>> -> memref<1x200x64xf32, #tpu.memory_space<vmem>>
    %dma_wait3A_233 = tpu.memref_squeeze %dma_wait3A_232 : memref<1x200x64xf32, #tpu.memory_space<vmem>> -> memref<200x64xf32, #tpu.memory_space<vmem>>
    %dma_wait3A_234 = arith.constant 0 : i32
    %dma_wait3A_235 = arith.constant 0 : i32
    %dma_wait3A_236 = tpu.memref_slice %arg4[%mul3A_2, %dma_wait3A_234, %dma_wait3A_235] : memref<4096x200x64xf32, #tpu.memory_space<hbm>> -> memref<1x200x64xf32, #tpu.memory_space<hbm>>
    %dma_wait3A_237 = tpu.memref_squeeze %dma_wait3A_236 : memref<1x200x64xf32, #tpu.memory_space<hbm>> -> memref<200x64xf32, #tpu.memory_space<hbm>>
    %dma_wait3A_238 = arith.constant 0 : i32
    %dma_wait3A_239 = arith.constant 0 : i32
    %dma_wait3A_240 = tpu.memref_slice %arg4[%mul3A_2, %dma_wait3A_238, %dma_wait3A_239] : memref<4096x200x64xf32, #tpu.memory_space<hbm>> -> memref<1x200x64xf32, #tpu.memory_space<hbm>>
    %dma_wait3A_241 = tpu.memref_squeeze %dma_wait3A_240 : memref<1x200x64xf32, #tpu.memory_space<hbm>> -> memref<200x64xf32, #tpu.memory_space<hbm>>
    %dma_wait3A_242 = arith.constant 0 : i32
    %dma_wait3A_243 = arith.constant 0 : i32
    %dma_wait3A_244 = tpu.memref_slice %arg6[%dma_wait3A_229, %dma_wait3A_242, %dma_wait3A_243] : memref<8x200x64xf32, #tpu.memory_space<vmem>> -> memref<1x200x64xf32, #tpu.memory_space<vmem>>
    %dma_wait3A_245 = tpu.memref_squeeze %dma_wait3A_244 : memref<1x200x64xf32, #tpu.memory_space<vmem>> -> memref<200x64xf32, #tpu.memory_space<vmem>>
    tpu.wait_dma2 semaphore(%arg21 : memref<!tpu.dma_semaphore, #tpu.memory_space<semaphore_mem>>) src(%dma_wait3A_245 : memref<200x64xf32, #tpu.memory_space<vmem>>) dst(%dma_wait3A_241 : memref<200x64xf32, #tpu.memory_space<hbm>>)
    %dma_wait3A_246 = arith.constant 7 : i32
    %dma_wait3A_247 = arith.constant 0 : i32
    %dma_wait3A_248 = arith.constant 0 : i32
    %dma_wait3A_249 = tpu.memref_slice %arg6[%dma_wait3A_246, %dma_wait3A_247, %dma_wait3A_248] : memref<8x200x64xf32, #tpu.memory_space<vmem>> -> memref<1x200x64xf32, #tpu.memory_space<vmem>>
    %dma_wait3A_250 = tpu.memref_squeeze %dma_wait3A_249 : memref<1x200x64xf32, #tpu.memory_space<vmem>> -> memref<200x64xf32, #tpu.memory_space<vmem>>
    %dma_wait3A_251 = arith.constant 0 : i32
    %dma_wait3A_252 = arith.constant 0 : i32
    %dma_wait3A_253 = tpu.memref_slice %arg4[%mul3A_2, %dma_wait3A_251, %dma_wait3A_252] : memref<4096x200x64xf32, #tpu.memory_space<hbm>> -> memref<1x200x64xf32, #tpu.memory_space<hbm>>
    %dma_wait3A_254 = tpu.memref_squeeze %dma_wait3A_253 : memref<1x200x64xf32, #tpu.memory_space<hbm>> -> memref<200x64xf32, #tpu.memory_space<hbm>>
    %dma_wait3A_255 = arith.constant 0 : i32
    %dma_wait3A_256 = arith.constant 0 : i32
    %dma_wait3A_257 = tpu.memref_slice %arg4[%mul3A_2, %dma_wait3A_255, %dma_wait3A_256] : memref<4096x200x64xf32, #tpu.memory_space<hbm>> -> memref<1x200x64xf32, #tpu.memory_space<hbm>>
    %dma_wait3A_258 = tpu.memref_squeeze %dma_wait3A_257 : memref<1x200x64xf32, #tpu.memory_space<hbm>> -> memref<200x64xf32, #tpu.memory_space<hbm>>
    %dma_wait3A_259 = arith.constant 0 : i32
    %dma_wait3A_260 = arith.constant 0 : i32
    %dma_wait3A_261 = tpu.memref_slice %arg6[%dma_wait3A_246, %dma_wait3A_259, %dma_wait3A_260] : memref<8x200x64xf32, #tpu.memory_space<vmem>> -> memref<1x200x64xf32, #tpu.memory_space<vmem>>
    %dma_wait3A_262 = tpu.memref_squeeze %dma_wait3A_261 : memref<1x200x64xf32, #tpu.memory_space<vmem>> -> memref<200x64xf32, #tpu.memory_space<vmem>>
    tpu.wait_dma2 semaphore(%arg22 : memref<!tpu.dma_semaphore, #tpu.memory_space<semaphore_mem>>) src(%dma_wait3A_262 : memref<200x64xf32, #tpu.memory_space<vmem>>) dst(%dma_wait3A_258 : memref<200x64xf32, #tpu.memory_space<hbm>>)
    return
  }
}

</mosaic_0001>

<sc_bundles>
// kernel: kernel.3.cloned.1.call-start
scs
__scs_entry_jumppad:
0x0: {  	(pc) =	sbr.rel $0x88, $3  }
0x1: {  	(tag) =	ssettag $0x0;
	lr =	simm.s32 $0x1  }
0x2: {  	[smem:$0x3F9F] =	sst lr;
	_ =	strace $0xD0000000  }
0x3: {  	_ = 	snop  }
0x4: {  	_ = 	snop  }
0x5: {  	_ = 	snop  }
0x6: {  	_ = 	snop  }
0x7: {  	_ = 	snop  }
__scs_overlays_trampoline_lowered:
0x8: {  	[smem:$0x3FAE] =	sst s0  }
0x9: {  	[smem:$0x3FAF] =	sst s1  }
0xa: {  	[smem:$0x3FB0] =	sst s2  }
0xb: {  	[smem:$0x3FB1] =	sst s3  }
0xc: {  	[smem:$0x3FB2] =	sst s4  }
0xd: {  	[smem:$0x3FB3] =	sst s5  }
0xe: {  	[smem:$0x3FB4] =	sst s6  }
0xf: {  	[smem:$0x3FB5] =	sst s7  }
0x10: {  	[smem:$0x3FB6] =	sst s8  }
0x11: {  	[smem:$0x3FB7] =	sst s9;
	s0 =	simm.s32 @!p0 $0x0  }
0x12: {  	s1 =	sld [smem:$0x3F9D];
	s0 =	simm.s32 @p0 $0x1  }
0x13: {  	[smem:$0x3FB8] =	sst s0;
	s0 =	simm.s32 @!p1 $0x0  }
0x14: {  	s2 =	sld [smem:$0x3F9C];
	s0 =	simm.s32 @p1 $0x1  }
0x15: {  	[smem:$0x3FB9] =	sst s0;
	s0 =	simm.s32 @!p2 $0x0  }
0x16: {  	s3 =	sld [smem:$0x3FDB];
	s0 =	simm.s32 @p2 $0x1  }
0x17: {  	s4 =	simm.s32 $0x1BF5;
	[smem:$0x3FBB] =	sst s0  }
0x18: {  	s0 =	sld [smem:$0x3F9E];
	_ =	swait.ge [sflag:s4], $0x0  }
0x19: {  	s7 =	sld [smem:$0x3F9F]  }
0x1a: {  	s8 =	sadd.s32 $0xFFFFE003, lr  }
0x1b: {  	s9 =	sadd.s32 $0xFFFFFEF7, lr;
	s5 =	simm.s32 $0xFFFFFFFF;
	p2 =	slt.u32 s8, $0xFFFFF086  }
0x1c: {  	p1 =	slt.u32 s9, $0xF7A;
	s5 =	simm.s32 @!p2 $0x0  }
0x1d: {  	s5 =	simm.s32 @p1 $0x1;
	p0 =	seq.s32 s7, s2  }
0x1e: {  	s7 =	smul.u32 @!p0 $0xF7A, s2;
	p2 =	seq.s32 @!p0 s5, $0x0  }
0x1f: {  	s9 =	smul.u32 $0xF7A, s1;
	s8 =	simm.s32 @!p0 $0x1BF5;
	p2 =	por !p2, p0  }
0x20: {  	[sflag:s8] =	ssyncset.s32 @!p0 $0xFFFFF086;
	s6 =	sadd.s32 @!p0 s3, s7;
	s7 =	simm.s32 @!p0 $0x108  }
0x21: {  	s3 =	sadd.s32 s3, s9;
	s6 =	sadd.s32 @!p0 $0x88, s6;
	s7 =	simm.s32 @p2 $0x1082  }
0x22: {  	[simem:s7], [sflag:s8] =	dma.local @!p0 [hbm:s6], $0xF7A  }
0x23: {  	s9 =	sor.u32 $0xD0000000, s2;
	s6 =	simm.s32 $0x108;
	_ =	swait.ge @!p0 [sflag:s8], $0x0  }
0x24: {  	s3 =	sadd.s32 $0x88, s3;
	s6 =	simm.s32 @!p1 $0x1082;
	[sflag:s4] =	ssyncset.s32 $0xFFFFF086  }
0x25: {  	[simem:s6], [sflag:s4] =	dma.local [hbm:s3], $0xF7A  }
0x26: {  	[smem:$0x3F9F] =	sst s1;
	(tag) =	ssettag s2;
	_ =	strace s9  }
0x27: {  	s1 =	sld [smem:$0x3FAF]  }
0x28: {  	s2 =	sld [smem:$0x3FB0]  }
0x29: {  	s4 =	sld [smem:$0x3FB2]  }
0x2a: {  	p0 =	seq.s32 s5, $0x0;
	s5 =	sld [smem:$0x3FB3]  }
0x2b: {  	s6 =	sld [smem:$0x3FB4]  }
0x2c: {  	s7 =	sld [smem:$0x3FB5]  }
0x2d: {  	s3 =	simm.s32 $0x108;
	s8 =	sld [smem:$0x3FB6]  }
0x2e: {  	s3 =	simm.s32 @!p0 $0x1082;
	s9 =	sld [smem:$0x3FB7]  }
0x2f: {  	lr =	sadd.s32 s0, s3;
	s0 =	sld [smem:$0x3FAE]  }
0x30: {  	s3 =	sld [smem:$0x3FB1]  }
0x31: {  	[smem:$0x3FBA] =	sst s10  }
0x32: {  	s10 =	sld [smem:$0x3FB8];
	_ =	sdelay $0x3  }
0x33: {  	p0 =	seq.s32 s10, $0x1;
	s10 =	sld [smem:$0x3FBA];
	_ =	sdelay $0x3  }
0x34: {  	[smem:$0x3FBA] =	sst s10  }
0x35: {  	s10 =	sld [smem:$0x3FB9];
	_ =	sdelay $0x3  }
0x36: {  	p1 =	seq.s32 s10, $0x1;
	s10 =	sld [smem:$0x3FBA];
	_ =	sdelay $0x3  }
0x37: {  	[smem:$0x3FBA] =	sst s10  }
0x38: {  	s10 =	sld [smem:$0x3FBB]  }
0x39: {  	_ = 	snop;
	(pc) =	sbr.ind lr, $3  }
0x3a: {  	_ = 	snop  }
0x3b: {  	_ = 	snop  }
0x3c: {  	p2 =	seq.s32 s10, $0x1;
	s10 =	sld [smem:$0x3FBA]  }
0x3d: {  	_ =	shalt  }
0x3e: {  	_ =	shalt  }
0x3f: {  	_ =	shalt  }
0x40: {  	_ =	shalt  }
0x41: {  	_ =	shalt  }
0x42: {  	_ =	shalt  }
0x43: {  	_ =	shalt  }
0x44: {  	_ =	shalt  }
0x45: {  	_ =	shalt  }
0x46: {  	_ =	shalt  }
0x47: {  	_ =	shalt  }
0x48: {  	_ =	shalt  }
0x49: {  	_ =	shalt  }
0x4a: {  	_ =	shalt  }
0x4b: {  	_ =	shalt  }
0x4c: {  	_ =	shalt  }
0x4d: {  	_ =	shalt  }
0x4e: {  	_ =	shalt  }
0x4f: {  	_ =	shalt  }
0x50: {  	_ =	shalt  }
0x51: {  	_ =	shalt  }
0x52: {  	_ =	shalt  }
0x53: {  	_ =	shalt  }
0x54: {  	_ =	shalt  }
0x55: {  	_ =	shalt  }
0x56: {  	_ =	shalt  }
0x57: {  	_ =	shalt  }
0x58: {  	_ =	shalt  }
0x59: {  	_ =	shalt  }
0x5a: {  	_ =	shalt  }
0x5b: {  	_ =	shalt  }
0x5c: {  	_ =	shalt  }
0x5d: {  	_ =	shalt  }
0x5e: {  	_ =	shalt  }
0x5f: {  	_ =	shalt  }
0x60: {  	_ =	shalt  }
0x61: {  	_ =	shalt  }
0x62: {  	_ =	shalt  }
0x63: {  	_ =	shalt  }
0x64: {  	_ =	shalt  }
0x65: {  	_ =	shalt  }
0x66: {  	_ =	shalt  }
0x67: {  	_ =	shalt  }
0x68: {  	_ =	shalt  }
0x69: {  	_ =	shalt  }
0x6a: {  	_ =	shalt  }
0x6b: {  	_ =	shalt  }
0x6c: {  	_ =	shalt  }
0x6d: {  	_ =	shalt  }
0x6e: {  	_ =	shalt  }
0x6f: {  	_ =	shalt  }
0x70: {  	_ =	shalt  }
0x71: {  	_ =	shalt  }
0x72: {  	_ =	shalt  }
0x73: {  	_ =	shalt  }
0x74: {  	_ =	shalt  }
0x75: {  	_ =	shalt  }
0x76: {  	_ =	shalt  }
0x77: {  	_ =	shalt  }
0x78: {  	_ =	shalt  }
0x79: {  	_ =	shalt  }
0x7a: {  	_ =	shalt  }
0x7b: {  	_ =	shalt  }
0x7c: {  	_ =	shalt  }
0x7d: {  	_ =	shalt  }
0x7e: {  	_ =	shalt  }
0x7f: {  	_ =	shalt  }
0x80: {  	_ =	shalt  }
0x81: {  	_ =	shalt  }
0x82: {  	_ =	shalt  }
0x83: {  	_ =	shalt  }
0x84: {  	_ =	shalt  }
0x85: {  	_ =	shalt  }
0x86: {  	_ =	shalt  }
0x87: {  	_ =	shalt  }
.Lfunc_end0:
.L_simem_size_0:
called_computation.1_lowered:
.L_overlay_start_0:
0x88: {  	s2 =	sld [smem:$0x3FD9]  }
0x89: {  	s3 =	sld [smem:$0x3FFE];
	_ =	sdelay $0x1  }
0x8a: {  	s1 =	srdreg.scid  }
0x8b: {  	s0 =	sand.u32 $0x1, s1  }
0x8c: {  	s17 =	sshll.u32 s0, $0xA;
	s2 =	sadd.s32 s3, s2  }
0x8d: {  	s2 =	sadd.s32 s2, s17  }
0x8e: {  	[smem:$0x3FC6] =	sst s2  }
0x8f: {  	_ = 	snop  }
0x90: {  	s2 =	sld [smem:$0x3FD0];
	(tm) =	ssettm $0x1  }
0x91: {  	s18 =	sld [smem:$0x3FFB];
	_ =	sdelay $0x3  }
0x92: {  	_ =	strace s18  }
0x93: {  	s3 =	sld [smem:$0x3FFC];
	_ =	sdelay $0x3  }
0x94: {  	_ =	strace s3  }
0x95: {  	s3 =	sld [smem:$0x3FFD];
	_ =	sdelay $0x3  }
0x96: {  	_ =	strace s3  }
0x97: {  	_ =	strace $0x8FFFFFFF  }
0x98: {  	s19 =	sld [smem:$0x3FDB];
	_ =	sdelay $0x1  }
0x99: {  	s4 =	simm.s32 $_scs_section_size  }
0x9a: {  	s5 =	simm.s32 $_size__tile_overlayer_lowered;
	s6 =	simm.s32 $_tile_overlayer_lowered  }
0x9b: {  	s22 =	simm.s32 $0x1BFF;
	s21 =	sshll.u32 s6, $0x1;
	s3 =	sadd.s32 s4, s19  }
0x9c: {  	s7 =	simm.s32 $0x0;
	s20 =	sshll.u32 s5, $0x1;
	s5 =	sadd.s32 s21, s3  }
0x9d: {  	[timem:s7], [sflag:s22] =	dma.local [hbm:s5], s20  }
0x9e: {  	_ =	swait.ge [sflag:s22], s20  }
0x9f: {  	s4 =	ssub.s32 $0x0, s20;
	[sflag:s22] =	ssyncset.done $0x0  }
0xa0: {  	[sflag:s22] =	ssyncadd.s32 s4;
	_ =	sdelay $0x1  }
0xa1: {  	s23 =	simm.s32 $0x1B8B  }
0xa2: {  	_ =	swait.ge [sflag:s23], $0x1  }
0xa3: {  	[sflag:s23] =	ssyncset.done $0x0  }
0xa4: {  	s25 =	simm.s32 $0x1B8E;
	s24 =	sld [smem:$0x3FFE];
	[sflag:s23] =	ssyncadd.s32 $0xFFFFFFFF  }
0xa5: {  	s26 =	simm.s32 $execute0_lowered;
	[smem:$0x3FD2] =	sst s25  }
0xa6: {  	s5 =	sshll.u32 s26, $0x1;
	_ =	strace $0x80000046;
	[dreg:$0x1] =	wrdreg $0xFFFFFFFF  }
0xa7: {  	s28 =	simm.s32 $_size_execute0_lowered;
	s3 =	sadd.s32 s3, s5;
	[dreg:$0x0] =	wrdreg $0x0  }
0xa8: {  	s5 =	sshll.u32 s28, $0x1;
	[dreg:$0x2] =	wrdreg s3  }
0xa9: {  	[dreg:$0x3] =	wrdreg s5  }
0xaa: {  	[dreg:$0x4] =	wrdreg $0xC0  }
0xab: {  	_ =	task [dreg:s7], $0x5FFFF  }
0xac: {  	[dreg:$0x1] =	wrdreg $0xFFFFFFFF  }
0xad: {  	[dreg:$0x0] =	wrdreg $0x60  }
0xae: {  	[dreg:$0x2] =	wrdreg s24  }
0xaf: {  	[dreg:$0x3] =	wrdreg s2  }
0xb0: {  	[dreg:$0x4] =	wrdreg $0x9  }
0xb1: {  	_ =	task.clear_ibuf [dreg:s7], $0x5FFFF;
	_ =	strace $0x90000046  }
0xb2: {  	s29 =	simm.s32 $0x9;
	_ =	strace $0x80000048  }
0xb3: {  	_ =	swait.ge [sflag:s29], $0x1  }
0xb4: {  	[sflag:s29] =	ssyncadd.s32 $0xFFFFFFFF  }
0xb5: {  	_ =	strace $0x90000048  }
0xb6: {  	_ =	sfence  }
0xb7: {  	s30 =	sld [smem:$0x0];
	_ =	sdelay $0x2  }
0xb8: {  	s31 =	sshll.u32 s1, $0xD;
	s1 =	sshrl.u32 s1, $0x2  }
0xb9: {  	s3 =	sand.u32 $0x4000, s31;
	s1 =	sadd.s32 s1, s30  }
0xba: {  	s0 =	sor.u32 s3, s0;
	s1 =	sshll.u32 s1, $0x11  }
0xbb: {  	s0 =	sor.u32 s1, s0  }
0xbc: {  	s0 =	sadd.s32 $0x8F2B, s0  }
0xbd: {  	[sflag:s0] =	ssyncadd.remote.s32 $0x1  }
0xbe: {  	_ =	sfence.sel $0xFFFF  }
0xbf: {  	[dreg:$0x0] =	wrdreg $0xFFFFFFFF;
	(pc) =	sbr.abs _section_cstart, $3  }
0xc0: {  	[dreg:$0x1] =	wrdreg $0xFFFFFFFF  }
0xc1: {  	_ =	task.clear_ibuf [dreg:s7], $0x2FFFF;
	_ =	strace $0x9FFFFFFF  }
0xc2: {  	(tm) =	ssettm $0x7FFFFFFF  }
0xc3: {  	_ =	shalt  }
tec
execute0_lowered:
.L_overlay_start_1:
0x0: {  	(tag) =	ssettag $0x1  }
0x1: {  	s0 =	srdreg.scid;
	s1 =	rddreg [dreg:$0x0]  }
0x2: {  	s9 =	stileid.u32;
	s4 =	rddreg [dreg:$0x1];
	s10 =	simm.s32 $0x48  }
0x3: {  	s24 =	simm.s32 $0x17E00;
	s25 =	simm.s32 $0x19000;
	s26 =	simm.s32 $0x1B000  }
0x4: {  	s28 =	simm.s32 $0x1E200;
	s29 =	simm.s32 $0x15E00;
	s30 =	simm.s32 $0x1  }
0x5: {  	s31 =	simm.s32 $0x2;
	s11 =	simm.s32 $0x6;
	s0 =	sand.u32 $0x1, s0  }
0x6: {  	s12 =	simm.s32 $0x8;
	s2 =	sshll.u32 s9, $0x8;
	s3 =	sshll.u32 s0, $0x7  }
0x7: {  	s17 =	simm.s32 $0x6400;
	s3 =	sor.u32 s3, s2;
	s2 =	simm.s32 $0x0  }
0x8: {  	s21 =	smul.u32 $0x64000, s9;
	s6 =	ssub.s32 $0x2, s0;
	[smem:$0x7FF] =	sst s2  }
0x9: {  	s5 =	smul.u32 $0x19, s3;
	_ =	strace $0x80000047;
	[dreg:$0x6] =	wrdreg s24  }
0xa: {  	s8 =	sshrl.u32 s6, $0x1;
	s7 =	smul.u32 $0x640, s3;
	[dreg:$0x7] =	wrdreg s25  }
0xb: {  	s3 =	sadd.s32 $0xF42E00, s1;
	s18 =	ssub.s32 s6, s8;
	[dreg:$0x8] =	wrdreg s26  }
0xc: {  	[dreg:$0x9] =	wrdreg s28;
	s1 =	sadd.s32 s5, s1;
	s5 =	smax.u32 s18, $0x1  }
0xd: {  	s19 =	sadd.s32 s4, s7;
	s1 =	sadd.s32 $0xA00, s1;
	[dreg:$0xb] =	wrdreg s5  }
0xe: {  	s0 =	smul.u32 $0x32000, s0;
	s20 =	sadd.s32 $0x30700, s19;
	[dreg:$0xa] =	wrdreg s1  }
0xf: {  	s8 =	simm.s32 $0x80;
	s22 =	sadd.s32 $0x31380, s19;
	[dreg:$0x3] =	wrdreg s20  }
0x10: {  	s4 =	sadd.s32 s21, s4;
	s23 =	sadd.s32 $0x300C0, s19;
	[dreg:$0x4] =	wrdreg s22  }
0x11: {  	s6 =	simm.s32 $0x0;
	s0 =	sadd.s32 s0, s4;
	[dreg:$0x5] =	wrdreg s23  }
0x12: {  	[dreg:$0xc] =	wrdreg s0;
	s1 =	simm.s32 $0x1C200;
	s0 =	simm.s32 $0x3  }
.LBB2_1:
0x13: {  	[dreg:$0xd] =	wrdreg s6  }
0x14: {  	s4 =	rddreg [dreg:$0xa];
	s14 =	simm.s32 $0x11  }
0x15: {  	[tilespmem:s2], [sflag:$0x11] =	stream.linear.gather [hbm4b:s4+s2], $0x6400, $0x38;
	[tilespmem:$0x1F400] =	vst v63  }
0x16: {  	_ =	swait.ge [sflag:s14], $0x6400  }
0x17: {  	[sflag:s14] =	ssyncset.done $0x0  }
0x18: {  	s7 =	simm.s32 $0x6400;
	[sflag:s14] =	ssyncadd.s32 $0xFFFF9C00  }
0x19: {  	[tilespmem:s7], [sflag:$0x1] =	stream.indirect.gather [hbm4b:s3+s8], $0x40, s2, s8, $0xb8;
	[tilespmem:$0x1F400] =	vst v63  }
0x1a: {  	s15 =	simm.s32 $0x8400  }
0x1b: {  	[tilespmem:s15], [sflag:$0x1] =	stream.indirect.gather [hbm4b:s3+s10], $0x40, s8, s10, $0xb8;
	[tilespmem:$0x1F400] =	vst v63  }
0x1c: {  	s16 =	simm.s32 $0xC8;
	s9 =	simm.s32 $0x9600  }
0x1d: {  	[tilespmem:s9], [sflag:$0x2] =	stream.indirect.gather [hbm4b:s3+s8], $0x40, s16, s8, $0xb8;
	[tilespmem:$0x1F400] =	vst v63  }
0x1e: {  	s18 =	simm.s32 $0x148;
	s5 =	simm.s32 $0xB600  }
0x1f: {  	[tilespmem:s5], [sflag:$0x2] =	stream.indirect.gather [hbm4b:s3+s10], $0x40, s18, s10, $0xb8;
	[tilespmem:$0x1F400] =	vst v63  }
0x20: {  	s19 =	simm.s32 $0x190;
	s13 =	simm.s32 $0xC800  }
0x21: {  	[tilespmem:s13], [sflag:$0x3] =	stream.indirect.gather [hbm4b:s3+s8], $0x40, s19, s8, $0xb8;
	[tilespmem:$0x1F400] =	vst v63  }
0x22: {  	s20 =	simm.s32 $0x210;
	s21 =	simm.s32 $0xE800  }
0x23: {  	[tilespmem:s21], [sflag:$0x3] =	stream.indirect.gather [hbm4b:s3+s10], $0x40, s20, s10, $0xb8;
	[tilespmem:$0x1F400] =	vst v63  }
0x24: {  	s22 =	simm.s32 $0x258;
	s23 =	simm.s32 $0xFA00  }
0x25: {  	[tilespmem:s23], [sflag:$0x4] =	stream.indirect.gather [hbm4b:s3+s8], $0x40, s22, s8, $0xb8;
	[tilespmem:$0x1F400] =	vst v63  }
0x26: {  	s24 =	simm.s32 $0x2D8;
	s25 =	simm.s32 $0x11A00;
	p0 =	por $0x1, $0x1  }
0x27: {  	[tilespmem:s25], [sflag:$0x4] =	stream.indirect.gather [hbm4b:s3+s10], $0x40, s24, s10, $0xb8;
	[tilespmem:$0x1F400] =	vst v63  }
0x28: {  	s26 =	simm.s32 $0x320;
	s28 =	simm.s32 $0x12C00;
	p0 =	por p0, p0  }
0x29: {  	[tilespmem:s28], [sflag:$0x5] =	stream.indirect.gather [hbm4b:s3+s8], $0x40, s26, s8, $0xb8;
	[tilespmem:$0x1F400] =	vst v63  }
0x2a: {  	s6 =	simm.s32 $0x14C00;
	s4 =	simm.s32 @!p0 $0xE;
	s5 =	simm.s32 $0x3A0  }
0x2b: {  	[tilespmem:s6], [sflag:$0x5] =	stream.indirect.gather [hbm4b:s3+s10], $0x40, s5, s10, $0xb8;
	[tilespmem:$0x1F400] =	vst v63  }
0x2c: {  	_ =	swait.ge @!p0 [sflag:s4], $0x3200  }
0x2d: {  	[sflag:s4] =	ssyncset.done @!p0 $0x0  }
0x2e: {  	s14 =	simm.s32 $0x3E8;
	[sflag:s4] =	ssyncadd.s32 @!p0 $0xFFFFCE00  }
0x2f: {  	[tilespmem:s29], [sflag:$0x6] =	stream.indirect.gather [hbm4b:s3+s8], $0x40, s14, s8, $0xb8;
	[tilespmem:$0x1F400] =	vst v63  }
0x30: {  	s16 =	simm.s32 $0x468;
	s15 =	rddreg [dreg:$0x6]  }
0x31: {  	[tilespmem:s15], [sflag:$0x6] =	stream.indirect.gather [hbm4b:s3+s10], $0x40, s16, s10, $0xb8;
	[tilespmem:$0x1F400] =	vst v63  }
0x32: {  	_ =	swait.ge [sflag:s30], $0x3200  }
0x33: {  	[sflag:s30] =	ssyncset.done $0x0  }
0x34: {  	s4 =	simm.s32 @!p0 $0xF;
	s6 =	rddreg [dreg:$0xc];
	[sflag:s30] =	ssyncadd.s32 $0xFFFFCE00  }
0x35: {  	[hbm4b:s6+s2] =	stream.linear.scatter [tilespmem:s7], [sflag:$0x9], $0x3200, $0x38;
	[tilespmem:$0x1F400] =	vst v63  }
0x36: {  	_ =	swait.ge @!p0 [sflag:s4], $0x3200  }
0x37: {  	[sflag:s4] =	ssyncset.done @!p0 $0x0  }
0x38: {  	s19 =	simm.s32 $0x4B0;
	s18 =	rddreg [dreg:$0x7];
	[sflag:s4] =	ssyncadd.s32 @!p0 $0xFFFFCE00  }
0x39: {  	[tilespmem:s18], [sflag:$0x7] =	stream.indirect.gather [hbm4b:s3+s8], $0x40, s19, s8, $0xb8;
	[tilespmem:$0x1F400] =	vst v63  }
0x3a: {  	s21 =	simm.s32 $0x530;
	s20 =	rddreg [dreg:$0x8]  }
0x3b: {  	[tilespmem:s20], [sflag:$0x7] =	stream.indirect.gather [hbm4b:s3+s10], $0x40, s21, s10, $0xb8;
	[tilespmem:$0x1F400] =	vst v63  }
0x3c: {  	_ =	swait.ge [sflag:s31], $0x3200  }
0x3d: {  	[sflag:s31] =	ssyncset.done $0x0  }
0x3e: {  	s5 =	simm.s32 @!p0 $0x10;
	s22 =	sadd.s32 $0x640, s6;
	[sflag:s31] =	ssyncadd.s32 $0xFFFFCE00  }
0x3f: {  	[hbm4b:s22+s2] =	stream.linear.scatter [tilespmem:s9], [sflag:$0xA], $0x3200, $0x38;
	[tilespmem:$0x1F400] =	vst v63  }
0x40: {  	_ =	swait.ge @!p0 [sflag:s5], $0x3200  }
0x41: {  	[sflag:s5] =	ssyncset.done @!p0 $0x0  }
0x42: {  	s23 =	simm.s32 $0x578;
	[sflag:s5] =	ssyncadd.s32 @!p0 $0xFFFFCE00  }
0x43: {  	[tilespmem:s1], [sflag:$0x8] =	stream.indirect.gather [hbm4b:s3+s8], $0x40, s23, s8, $0xb8;
	[tilespmem:$0x1F400] =	vst v63  }
0x44: {  	s25 =	simm.s32 $0x5F8;
	s24 =	rddreg [dreg:$0x9]  }
0x45: {  	[tilespmem:s24], [sflag:$0x8] =	stream.indirect.gather [hbm4b:s3+s10], $0x40, s25, s10, $0xb8;
	[tilespmem:$0x1F400] =	vst v63  }
0x46: {  	_ =	swait.ge [sflag:s0], $0x3200  }
0x47: {  	p0 =	por $0x0, $0x0;
	[sflag:s0] =	ssyncset.done $0x0  }
0x48: {  	s26 =	sadd.s32 $0xC80, s6;
	s4 =	simm.s32 @p0 $0x4;
	[sflag:s0] =	ssyncadd.s32 $0xFFFFCE00  }
0x49: {  	[hbm4b:s26+s2] =	stream.linear.scatter [tilespmem:s13], [sflag:$0xB], $0x3200, $0x38;
	[tilespmem:$0x1F400] =	vst v63  }
0x4a: {  	_ =	swait.ge @p0 [sflag:s4], $0x3200  }
0x4b: {  	s7 =	simm.s32 @p0 $0x0;
	s14 =	simm.s32 @p0 $0x5;
	[sflag:s4] =	ssyncset.done @p0 $0x0  }
0x4c: {  	s5 =	rddreg [dreg:$0x5];
	[sflag:s4] =	ssyncadd.s32 @p0 $0xFFFFCE00;
	s4 =	simm.s32 @p0 $0xFA00  }
0x4d: {  	[hbm4b:s5+s7] =	stream.linear.scatter @p0 [tilespmem:s4], [sflag:$0xC], $0x3200, $0x38;
	[tilespmem:$0x1F400] =	vst v63  }
0x4e: {  	_ =	swait.ge @p0 [sflag:s14], $0x3200  }
0x4f: {  	s5 =	simm.s32 @p0 $0x12C00;
	[sflag:s14] =	ssyncset.done @p0 $0x0  }
0x50: {  	s4 =	rddreg [dreg:$0x3];
	[sflag:s14] =	ssyncadd.s32 @p0 $0xFFFFCE00;
	s14 =	simm.s32 @!p0 $0x9  }
0x51: {  	[hbm4b:s4+s7] =	stream.linear.scatter @p0 [tilespmem:s5], [sflag:$0xD], $0x3200, $0x38;
	[tilespmem:$0x1F400] =	vst v63  }
0x52: {  	_ =	swait.ge @!p0 [sflag:s14], $0x3200  }
0x53: {  	s15 =	simm.s32 @!p0 $0x6C0;
	s16 =	simm.s32 @!p0 $0x6400;
	[sflag:s14] =	ssyncset.done @!p0 $0x0  }
0x54: {  	s5 =	simm.s32 @!p0 $0x640;
	s4 =	simm.s32 @!p0 $0x80;
	[sflag:s14] =	ssyncadd.s32 @!p0 $0xFFFFCE00  }
0x55: {  	[tilespmem:s16], [sflag:$0x1] =	stream.indirect.gather @!p0 [hbm4b:s3+s4], $0x40, s5, s4, $0xb8;
	[tilespmem:$0x1F400] =	vst v63  }
0x56: {  	s14 =	simm.s32 @!p0 $0x8400;
	s5 =	simm.s32 @!p0 $0x48;
	s16 =	simm.s32 @!p0 $0x4  }
0x57: {  	[tilespmem:s14], [sflag:$0x1] =	stream.indirect.gather @!p0 [hbm4b:s3+s5], $0x40, s15, s5, $0xb8;
	[tilespmem:$0x1F400] =	vst v63  }
0x58: {  	_ =	swait.ge @!p0 [sflag:s16], $0x3200  }
0x59: {  	s18 =	simm.s32 @!p0 $0x0;
	s14 =	simm.s32 @!p0 $0xFA00;
	[sflag:s16] =	ssyncset.done @!p0 $0x0  }
0x5a: {  	s15 =	sadd.s32 @!p0 $0x12C0, s6;
	[sflag:s16] =	ssyncadd.s32 @!p0 $0xFFFFCE00;
	s16 =	simm.s32 @!p0 $0xA  }
0x5b: {  	[hbm4b:s15+s18] =	stream.linear.scatter @!p0 [tilespmem:s14], [sflag:$0xC], $0x3200, $0x38;
	[tilespmem:$0x1F400] =	vst v63  }
0x5c: {  	_ =	swait.ge @!p0 [sflag:s16], $0x3200  }
0x5d: {  	[sflag:s16] =	ssyncset.done @!p0 $0x0  }
0x5e: {  	s19 =	simm.s32 @!p0 $0x9600;
	s15 =	simm.s32 @!p0 $0x708;
	[sflag:s16] =	ssyncadd.s32 @!p0 $0xFFFFCE00  }
0x5f: {  	[tilespmem:s19], [sflag:$0x2] =	stream.indirect.gather @!p0 [hbm4b:s3+s4], $0x40, s15, s4, $0xb8;
	[tilespmem:$0x1F400] =	vst v63  }
0x60: {  	s16 =	simm.s32 @!p0 $0xB600;
	s15 =	simm.s32 @!p0 $0x788;
	s19 =	simm.s32 @!p0 $0x5  }
0x61: {  	[tilespmem:s16], [sflag:$0x2] =	stream.indirect.gather @!p0 [hbm4b:s3+s5], $0x40, s15, s5, $0xb8;
	[tilespmem:$0x1F400] =	vst v63  }
0x62: {  	_ =	swait.ge @!p0 [sflag:s19], $0x3200  }
0x63: {  	s15 =	sadd.s32 @!p0 $0x1900, s6;
	[sflag:s19] =	ssyncset.done @!p0 $0x0  }
0x64: {  	s16 =	simm.s32 @!p0 $0x12C00;
	[sflag:s19] =	ssyncadd.s32 @!p0 $0xFFFFCE00;
	s19 =	simm.s32 @!p0 $0xB  }
0x65: {  	[hbm4b:s15+s18] =	stream.linear.scatter @!p0 [tilespmem:s16], [sflag:$0xD], $0x3200, $0x38;
	[tilespmem:$0x1F400] =	vst v63  }
0x66: {  	_ =	swait.ge @!p0 [sflag:s19], $0x3200  }
0x67: {  	[sflag:s19] =	ssyncset.done @!p0 $0x0  }
0x68: {  	s15 =	simm.s32 @!p0 $0x7D0;
	[sflag:s19] =	ssyncadd.s32 @!p0 $0xFFFFCE00;
	s19 =	simm.s32 @!p0 $0xC800  }
0x69: {  	[tilespmem:s19], [sflag:$0x3] =	stream.indirect.gather @!p0 [hbm4b:s3+s4], $0x40, s15, s4, $0xb8;
	[tilespmem:$0x1F400] =	vst v63  }
0x6a: {  	s15 =	simm.s32 @!p0 $0x850;
	s19 =	simm.s32 @!p0 $0xE800  }
0x6b: {  	[tilespmem:s19], [sflag:$0x3] =	stream.indirect.gather @!p0 [hbm4b:s3+s5], $0x40, s15, s5, $0xb8;
	[tilespmem:$0x1F400] =	vst v63  }
0x6c: {  	_ =	swait.ge [sflag:s11], $0x3200  }
0x6d: {  	[sflag:s11] =	ssyncset.done $0x0  }
0x6e: {  	s28 =	sadd.s32 $0x1F40, s6;
	s19 =	simm.s32 @p0 $0x7;
	[sflag:s11] =	ssyncadd.s32 $0xFFFFCE00  }
0x6f: {  	[hbm4b:s28+s2] =	stream.linear.scatter [tilespmem:s29], [sflag:$0xE], $0x3200, $0x38;
	[tilespmem:$0x1F400] =	vst v63  }
0x70: {  	_ =	swait.ge @p0 [sflag:s19], $0x3200  }
0x71: {  	[sflag:s19] =	ssyncset.done @p0 $0x0  }
0x72: {  	s15 =	rddreg [dreg:$0x4];
	[sflag:s19] =	ssyncadd.s32 @p0 $0xFFFFCE00;
	s19 =	simm.s32 @p0 $0x19000  }
0x73: {  	[hbm4b:s15+s7] =	stream.linear.scatter @p0 [tilespmem:s19], [sflag:$0xF], $0x3200, $0x38;
	[tilespmem:$0x1F400] =	vst v63  }
0x74: {  	s7 =	simm.s32 @!p0 $0xC  }
0x75: {  	_ =	swait.ge @!p0 [sflag:s7], $0x3200  }
0x76: {  	[sflag:s7] =	ssyncset.done @!p0 $0x0  }
0x77: {  	[sflag:s7] =	ssyncadd.s32 @!p0 $0xFFFFCE00;
	s7 =	simm.s32 @!p0 $0x898  }
0x78: {  	[tilespmem:s14], [sflag:$0x4] =	stream.indirect.gather @!p0 [hbm4b:s3+s4], $0x40, s7, s4, $0xb8;
	[tilespmem:$0x1F400] =	vst v63  }
0x79: {  	s7 =	simm.s32 @!p0 $0x918;
	s14 =	simm.s32 @!p0 $0x11A00  }
0x7a: {  	[tilespmem:s14], [sflag:$0x4] =	stream.indirect.gather @!p0 [hbm4b:s3+s5], $0x40, s7, s5, $0xb8;
	[tilespmem:$0x1F400] =	vst v63  }
0x7b: {  	s7 =	simm.s32 @!p0 $0x7  }
0x7c: {  	_ =	swait.ge @!p0 [sflag:s7], $0x3200  }
0x7d: {  	[sflag:s7] =	ssyncset.done @!p0 $0x0  }
0x7e: {  	s14 =	sadd.s32 @!p0 $0x2580, s6;
	[sflag:s7] =	ssyncadd.s32 @!p0 $0xFFFFCE00;
	s7 =	simm.s32 @!p0 $0x19000  }
0x7f: {  	[hbm4b:s14+s18] =	stream.linear.scatter @!p0 [tilespmem:s7], [sflag:$0xF], $0x3200, $0x38;
	[tilespmem:$0x1F400] =	vst v63  }
0x80: {  	s7 =	simm.s32 @!p0 $0xD  }
0x81: {  	_ =	swait.ge @!p0 [sflag:s7], $0x3200  }
0x82: {  	p1 =	por $0x0, $0x0;
	[sflag:s7] =	ssyncset.done @!p0 $0x0  }
0x83: {  	s25 =	simm.s32 $0x1900;
	[sflag:s7] =	ssyncadd.s32 @!p0 $0xFFFFCE00;
	s7 =	simm.s32 @!p0 $0x960  }
0x84: {  	[tilespmem:s16], [sflag:$0x5] =	stream.indirect.gather @!p0 [hbm4b:s3+s4], $0x40, s7, s4, $0xb8;
	[tilespmem:$0x1F400] =	vst v63  }
0x85: {  	s24 =	sadd.s32 $0x3200, s6;
	s4 =	simm.s32 @!p0 $0x9E0;
	s7 =	simm.s32 @!p0 $0x14C00  }
0x86: {  	[tilespmem:s7], [sflag:$0x5] =	stream.indirect.gather @!p0 [hbm4b:s3+s5], $0x40, s4, s5, $0xb8;
	[tilespmem:$0x1F400] =	vst v63  }
0x87: {  	s26 =	simm.s32 $0x3200;
	p0 =	por p1, p1;
	_ =	swait.ge [sflag:s12], $0x3200  }
0x88: {  	s7 =	sadd.s32 $0x2BC0, s6;
	s5 =	simm.s32 @!p0 $0xE;
	[sflag:s12] =	ssyncset.done $0x0  }
.LBB2_2:
0x89: {  	[sflag:s12] =	ssyncadd.s32 $0xFFFFCE00  }
0x8a: {  	[hbm4b:s7+s2] =	stream.linear.scatter [tilespmem:s1], [sflag:$0x10], $0x3200, $0x38;
	[tilespmem:$0x1F400] =	vst v63  }
0x8b: {  	_ =	swait.ge @!p0 [sflag:s5], $0x3200  }
0x8c: {  	s20 =	sshra.s32 s25, $0x2;
	[sflag:s5] =	ssyncset.done @!p0 $0x0  }
0x8d: {  	s21 =	sadd.s32 $0x3E8, s20;
	[sflag:s5] =	ssyncadd.s32 @!p0 $0xFFFFCE00  }
0x8e: {  	[tilespmem:s29], [sflag:$0x6] =	stream.indirect.gather [hbm4b:s3+s8], $0x40, s21, s8, $0xb8;
	[tilespmem:$0x1F400] =	vst v63  }
0x8f: {  	s22 =	sadd.s32 $0x468, s20;
	s14 =	rddreg [dreg:$0x6]  }
0x90: {  	[tilespmem:s14], [sflag:$0x6] =	stream.indirect.gather [hbm4b:s3+s10], $0x40, s22, s10, $0xb8;
	[tilespmem:$0x1F400] =	vst v63  }
0x91: {  	_ =	swait.ge [sflag:s30], $0x3200  }
0x92: {  	[sflag:s30] =	ssyncset.done $0x0  }
0x93: {  	s5 =	simm.s32 @!p0 $0xF;
	[sflag:s30] =	ssyncadd.s32 $0xFFFFCE00  }
0x94: {  	[hbm4b:s24+s2] =	stream.linear.scatter [tilespmem:s17], [sflag:$0x9], $0x3200, $0x38;
	[tilespmem:$0x1F400] =	vst v63  }
0x95: {  	_ =	swait.ge @!p0 [sflag:s5], $0x3200  }
0x96: {  	[sflag:s5] =	ssyncset.done @!p0 $0x0  }
0x97: {  	s6 =	sadd.s32 $0x4B0, s20;
	s23 =	rddreg [dreg:$0x7];
	[sflag:s5] =	ssyncadd.s32 @!p0 $0xFFFFCE00  }
0x98: {  	[tilespmem:s23], [sflag:$0x7] =	stream.indirect.gather [hbm4b:s3+s8], $0x40, s6, s8, $0xb8;
	[tilespmem:$0x1F400] =	vst v63  }
0x99: {  	s9 =	sadd.s32 $0x530, s20;
	s15 =	rddreg [dreg:$0x8]  }
0x9a: {  	[tilespmem:s15], [sflag:$0x7] =	stream.indirect.gather [hbm4b:s3+s10], $0x40, s9, s10, $0xb8;
	[tilespmem:$0x1F400] =	vst v63  }
0x9b: {  	_ =	swait.ge [sflag:s31], $0x3200  }
0x9c: {  	s13 =	sadd.s32 $0x640, s24;
	[sflag:s31] =	ssyncset.done $0x0  }
0x9d: {  	s14 =	simm.s32 @!p0 $0x10;
	s6 =	simm.s32 $0x9600;
	[sflag:s31] =	ssyncadd.s32 $0xFFFFCE00  }
0x9e: {  	[hbm4b:s13+s2] =	stream.linear.scatter [tilespmem:s6], [sflag:$0xA], $0x3200, $0x38;
	[tilespmem:$0x1F400] =	vst v63  }
0x9f: {  	_ =	swait.ge @!p0 [sflag:s14], $0x3200  }
0xa0: {  	p2 =	seq.s32 s26, $0x0;
	s4 =	smov.u32 s26;
	[sflag:s14] =	ssyncset.done @!p0 $0x0  }
0xa1: {  	s19 =	sadd.s32 $0xC80, s24;
	s15 =	sadd.s32 $0x578, s20;
	[sflag:s14] =	ssyncadd.s32 @!p0 $0xFFFFCE00  }
0xa2: {  	[tilespmem:s1], [sflag:$0x8] =	stream.indirect.gather [hbm4b:s3+s8], $0x40, s15, s8, $0xb8;
	[tilespmem:$0x1F400] =	vst v63  }
0xa3: {  	s18 =	sadd.s32 $0x5F8, s20;
	s20 =	simm.s32 $0xC800;
	s16 =	rddreg [dreg:$0x9]  }
0xa4: {  	[tilespmem:s16], [sflag:$0x8] =	stream.indirect.gather [hbm4b:s3+s10], $0x40, s18, s10, $0xb8;
	[tilespmem:$0x1F400] =	vst v63  }
0xa5: {  	p0 =	por p2, p2;
	p2 =	seq.s32 s25, $0x17700;
	_ =	swait.ge [sflag:s0], $0x3200  }
0xa6: {  	s5 =	simm.s32 @p2 $0x4;
	s7 =	sshra.s32 @!p2 s25, $0x2;
	[sflag:s0] =	ssyncset.done $0x0  }
0xa7: {  	s25 =	smov.u32 s4;
	s15 =	simm.s32 @p2 $0x0;
	[sflag:s0] =	ssyncadd.s32 $0xFFFFCE00  }
0xa8: {  	[hbm4b:s19+s2] =	stream.linear.scatter [tilespmem:s20], [sflag:$0xB], $0x3200, $0x38;
	[tilespmem:$0x1F400] =	vst v63  }
0xa9: {  	s14 =	simm.s32 @p2 $0x5;
	s13 =	simm.s32 @!p2 $0x9;
	_ =	swait.ge @p2 [sflag:s5], $0x3200  }
0xaa: {  	s22 =	sadd.s32 @!p2 $0x6C0, s7;
	s23 =	sadd.s32 @!p2 $0x708, s7;
	[sflag:s5] =	ssyncset.done @p2 $0x0  }
0xab: {  	s4 =	rddreg [dreg:$0x5];
	[sflag:s5] =	ssyncadd.s32 @p2 $0xFFFFCE00;
	s5 =	simm.s32 @p2 $0xFA00  }
0xac: {  	[hbm4b:s4+s15] =	stream.linear.scatter @p2 [tilespmem:s5], [sflag:$0xC], $0x3200, $0x38;
	[tilespmem:$0x1F400] =	vst v63  }
0xad: {  	s6 =	sadd.s32 @!p2 $0x788, s7;
	s21 =	sadd.s32 @!p2 $0x850, s7;
	_ =	swait.ge @p2 [sflag:s14], $0x3200  }
0xae: {  	s16 =	sadd.s32 @!p2 $0x898, s7;
	s18 =	sadd.s32 @!p2 $0x918, s7;
	[sflag:s14] =	ssyncset.done @p2 $0x0  }
0xaf: {  	s9 =	rddreg [dreg:$0x3];
	[sflag:s14] =	ssyncadd.s32 @p2 $0xFFFFCE00;
	s14 =	simm.s32 @p2 $0x12C00  }
0xb0: {  	[hbm4b:s9+s15] =	stream.linear.scatter @p2 [tilespmem:s14], [sflag:$0xD], $0x3200, $0x38;
	[tilespmem:$0x1F400] =	vst v63  }
0xb1: {  	s19 =	sadd.s32 @!p2 $0x640, s7;
	s20 =	sadd.s32 @!p2 $0x7D0, s7;
	_ =	swait.ge @!p2 [sflag:s13], $0x3200  }
0xb2: {  	s4 =	sadd.s32 @!p2 $0x960, s7;
	s5 =	sadd.s32 @!p2 $0x9E0, s7;
	[sflag:s13] =	ssyncset.done @!p2 $0x0  }
0xb3: {  	s7 =	simm.s32 @!p2 $0x80;
	s9 =	simm.s32 @!p2 $0x6400;
	[sflag:s13] =	ssyncadd.s32 @!p2 $0xFFFFCE00  }
0xb4: {  	[tilespmem:s9], [sflag:$0x1] =	stream.indirect.gather @!p2 [hbm4b:s3+s7], $0x40, s19, s7, $0xb8;
	[tilespmem:$0x1F400] =	vst v63  }
0xb5: {  	s14 =	simm.s32 @!p2 $0x48;
	s13 =	simm.s32 @!p2 $0x8400;
	s9 =	simm.s32 @!p2 $0x4  }
0xb6: {  	[tilespmem:s13], [sflag:$0x1] =	stream.indirect.gather @!p2 [hbm4b:s3+s14], $0x40, s22, s14, $0xb8;
	[tilespmem:$0x1F400] =	vst v63  }
0xb7: {  	_ =	swait.ge @!p2 [sflag:s9], $0x3200  }
0xb8: {  	s19 =	simm.s32 @!p2 $0x0;
	s22 =	simm.s32 @!p2 $0xFA00;
	[sflag:s9] =	ssyncset.done @!p2 $0x0  }
0xb9: {  	s13 =	sadd.s32 @!p2 $0x12C0, s24;
	[sflag:s9] =	ssyncadd.s32 @!p2 $0xFFFFCE00;
	s9 =	simm.s32 @!p2 $0xA  }
0xba: {  	[hbm4b:s13+s19] =	stream.linear.scatter @!p2 [tilespmem:s22], [sflag:$0xC], $0x3200, $0x38;
	[tilespmem:$0x1F400] =	vst v63  }
0xbb: {  	_ =	swait.ge @!p2 [sflag:s9], $0x3200  }
0xbc: {  	[sflag:s9] =	ssyncset.done @!p2 $0x0  }
0xbd: {  	s13 =	simm.s32 @!p2 $0x9600;
	[sflag:s9] =	ssyncadd.s32 @!p2 $0xFFFFCE00  }
0xbe: {  	[tilespmem:s13], [sflag:$0x2] =	stream.indirect.gather @!p2 [hbm4b:s3+s7], $0x40, s23, s7, $0xb8;
	[tilespmem:$0x1F400] =	vst v63  }
0xbf: {  	s9 =	simm.s32 @!p2 $0xB600;
	s13 =	simm.s32 @!p2 $0x5  }
0xc0: {  	[tilespmem:s9], [sflag:$0x2] =	stream.indirect.gather @!p2 [hbm4b:s3+s14], $0x40, s6, s14, $0xb8;
	[tilespmem:$0x1F400] =	vst v63  }
0xc1: {  	_ =	swait.ge @!p2 [sflag:s13], $0x3200  }
0xc2: {  	s23 =	simm.s32 @!p2 $0x12C00;
	[sflag:s13] =	ssyncset.done @!p2 $0x0  }
0xc3: {  	s6 =	sadd.s32 @!p2 $0x1900, s24;
	s9 =	simm.s32 @!p2 $0xB;
	[sflag:s13] =	ssyncadd.s32 @!p2 $0xFFFFCE00  }
0xc4: {  	[hbm4b:s6+s19] =	stream.linear.scatter @!p2 [tilespmem:s23], [sflag:$0xD], $0x3200, $0x38;
	[tilespmem:$0x1F400] =	vst v63  }
0xc5: {  	_ =	swait.ge @!p2 [sflag:s9], $0x3200  }
0xc6: {  	[sflag:s9] =	ssyncset.done @!p2 $0x0  }
0xc7: {  	s6 =	simm.s32 @!p2 $0xC800;
	[sflag:s9] =	ssyncadd.s32 @!p2 $0xFFFFCE00  }
0xc8: {  	[tilespmem:s6], [sflag:$0x3] =	stream.indirect.gather @!p2 [hbm4b:s3+s7], $0x40, s20, s7, $0xb8;
	[tilespmem:$0x1F400] =	vst v63  }
0xc9: {  	s9 =	simm.s32 @!p2 $0xE800  }
0xca: {  	[tilespmem:s9], [sflag:$0x3] =	stream.indirect.gather @!p2 [hbm4b:s3+s14], $0x40, s21, s14, $0xb8;
	[tilespmem:$0x1F400] =	vst v63  }
0xcb: {  	_ =	swait.ge [sflag:s11], $0x3200  }
0xcc: {  	[sflag:s11] =	ssyncset.done $0x0  }
0xcd: {  	s21 =	sadd.s32 $0x1F40, s24;
	s9 =	simm.s32 @p2 $0x7;
	[sflag:s11] =	ssyncadd.s32 $0xFFFFCE00  }
0xce: {  	[hbm4b:s21+s2] =	stream.linear.scatter [tilespmem:s29], [sflag:$0xE], $0x3200, $0x38;
	[tilespmem:$0x1F400] =	vst v63  }
0xcf: {  	_ =	swait.ge @p2 [sflag:s9], $0x3200  }
0xd0: {  	s13 =	simm.s32 @!p2 $0xC;
	[sflag:s9] =	ssyncset.done @p2 $0x0  }
0xd1: {  	s6 =	rddreg [dreg:$0x4];
	[sflag:s9] =	ssyncadd.s32 @p2 $0xFFFFCE00;
	s9 =	simm.s32 @p2 $0x19000  }
0xd2: {  	[hbm4b:s6+s15] =	stream.linear.scatter @p2 [tilespmem:s9], [sflag:$0xF], $0x3200, $0x38;
	[tilespmem:$0x1F400] =	vst v63  }
0xd3: {  	_ =	swait.ge @!p2 [sflag:s13], $0x3200  }
0xd4: {  	[sflag:s13] =	ssyncset.done @!p2 $0x0  }
0xd5: {  	[sflag:s13] =	ssyncadd.s32 @!p2 $0xFFFFCE00  }
0xd6: {  	[tilespmem:s22], [sflag:$0x4] =	stream.indirect.gather @!p2 [hbm4b:s3+s7], $0x40, s16, s7, $0xb8;
	[tilespmem:$0x1F400] =	vst v63  }
0xd7: {  	s6 =	simm.s32 @!p2 $0x11A00;
	s9 =	simm.s32 @!p2 $0x7  }
0xd8: {  	[tilespmem:s6], [sflag:$0x4] =	stream.indirect.gather @!p2 [hbm4b:s3+s14], $0x40, s18, s14, $0xb8;
	[tilespmem:$0x1F400] =	vst v63  }
0xd9: {  	_ =	swait.ge @!p2 [sflag:s9], $0x3200  }
0xda: {  	s13 =	simm.s32 @!p2 $0x19000;
	[sflag:s9] =	ssyncset.done @!p2 $0x0  }
0xdb: {  	s6 =	sadd.s32 @!p2 $0x2580, s24;
	[sflag:s9] =	ssyncadd.s32 @!p2 $0xFFFFCE00;
	s9 =	simm.s32 @!p2 $0xD  }
0xdc: {  	[hbm4b:s6+s19] =	stream.linear.scatter @!p2 [tilespmem:s13], [sflag:$0xF], $0x3200, $0x38;
	[tilespmem:$0x1F400] =	vst v63  }
0xdd: {  	_ =	swait.ge @!p2 [sflag:s9], $0x3200  }
0xde: {  	s26 =	sadd.s32 $0x1900, s26;
	[sflag:s9] =	ssyncset.done @!p2 $0x0  }
0xdf: {  	p1 =	sne.s32 s26, $0x19000;
	[sflag:s9] =	ssyncadd.s32 @!p2 $0xFFFFCE00  }
0xe0: {  	[tilespmem:s23], [sflag:$0x5] =	stream.indirect.gather @!p2 [hbm4b:s3+s7], $0x40, s4, s7, $0xb8;
	[tilespmem:$0x1F400] =	vst v63  }
.Ltmp0:
0xe1: {  	_ = 	snop;
	(pc) =	sbr.rel @p1 .LBB2_2-.Ltmp0, $4  }
0xe2: {  	s6 =	simm.s32 @!p2 $0x14C00  }
0xe3: {  	[tilespmem:s6], [sflag:$0x5] =	stream.indirect.gather @!p2 [hbm4b:s3+s14], $0x40, s5, s14, $0xb8;
	[tilespmem:$0x1F400] =	vst v63  }
0xe4: {  	s28 =	smov.u32 s24;
	s24 =	sadd.s32 $0x3200, s24;
	_ =	swait.ge [sflag:s12], $0x3200  }
0xe5: {  	s7 =	sadd.s32 $0x2BC0, s28;
	s5 =	simm.s32 @!p0 $0xE;
	[sflag:s12] =	ssyncset.done $0x0  }
0xe6: {  	[sflag:s12] =	ssyncadd.s32 $0xFFFFCE00  }
0xe7: {  	[hbm4b:s7+s2] =	stream.linear.scatter [tilespmem:s1], [sflag:$0x10], $0x3200, $0x38;
	[tilespmem:$0x1F400] =	vst v63  }
0xe8: {  	_ =	swait.ge @!p0 [sflag:s5], $0x3200  }
0xe9: {  	s4 =	sshra.s32 s25, $0x2;
	[sflag:s5] =	ssyncset.done @!p0 $0x0  }
0xea: {  	s9 =	sadd.s32 $0x3E8, s4;
	[sflag:s5] =	ssyncadd.s32 @!p0 $0xFFFFCE00  }
0xeb: {  	[tilespmem:s29], [sflag:$0x6] =	stream.indirect.gather [hbm4b:s3+s8], $0x40, s9, s8, $0xb8;
	[tilespmem:$0x1F400] =	vst v63  }
0xec: {  	s13 =	sadd.s32 $0x468, s4;
	s6 =	rddreg [dreg:$0x6]  }
0xed: {  	[tilespmem:s6], [sflag:$0x6] =	stream.indirect.gather [hbm4b:s3+s10], $0x40, s13, s10, $0xb8;
	[tilespmem:$0x1F400] =	vst v63  }
0xee: {  	_ =	swait.ge [sflag:s30], $0x3200  }
0xef: {  	[sflag:s30] =	ssyncset.done $0x0  }
0xf0: {  	s5 =	simm.s32 @!p0 $0xF;
	[sflag:s30] =	ssyncadd.s32 $0xFFFFCE00  }
0xf1: {  	[hbm4b:s24+s2] =	stream.linear.scatter [tilespmem:s17], [sflag:$0x9], $0x3200, $0x38;
	[tilespmem:$0x1F400] =	vst v63  }
0xf2: {  	_ =	swait.ge @!p0 [sflag:s5], $0x3200  }
0xf3: {  	[sflag:s5] =	ssyncset.done @!p0 $0x0  }
0xf4: {  	s15 =	sadd.s32 $0x4B0, s4;
	s14 =	rddreg [dreg:$0x7];
	[sflag:s5] =	ssyncadd.s32 @!p0 $0xFFFFCE00  }
0xf5: {  	[tilespmem:s14], [sflag:$0x7] =	stream.indirect.gather [hbm4b:s3+s8], $0x40, s15, s8, $0xb8;
	[tilespmem:$0x1F400] =	vst v63  }
0xf6: {  	s18 =	sadd.s32 $0x530, s4;
	s16 =	rddreg [dreg:$0x8]  }
0xf7: {  	[tilespmem:s16], [sflag:$0x7] =	stream.indirect.gather [hbm4b:s3+s10], $0x40, s18, s10, $0xb8;
	[tilespmem:$0x1F400] =	vst v63  }
0xf8: {  	_ =	swait.ge [sflag:s31], $0x3200  }
0xf9: {  	s19 =	sadd.s32 $0x640, s24;
	[sflag:s31] =	ssyncset.done $0x0  }
0xfa: {  	s20 =	simm.s32 $0x9600;
	s6 =	simm.s32 @!p0 $0x10;
	[sflag:s31] =	ssyncadd.s32 $0xFFFFCE00  }
0xfb: {  	[hbm4b:s19+s2] =	stream.linear.scatter [tilespmem:s20], [sflag:$0xA], $0x3200, $0x38;
	[tilespmem:$0x1F400] =	vst v63  }
0xfc: {  	_ =	swait.ge @!p0 [sflag:s6], $0x3200  }
0xfd: {  	[sflag:s6] =	ssyncset.done @!p0 $0x0  }
0xfe: {  	s21 =	sadd.s32 $0x578, s4;
	[sflag:s6] =	ssyncadd.s32 @!p0 $0xFFFFCE00  }
0xff: {  	[tilespmem:s1], [sflag:$0x8] =	stream.indirect.gather [hbm4b:s3+s8], $0x40, s21, s8, $0xb8;
	[tilespmem:$0x1F400] =	vst v63  }
0x100: {  	s4 =	sadd.s32 $0x5F8, s4;
	s22 =	rddreg [dreg:$0x9]  }
0x101: {  	[tilespmem:s22], [sflag:$0x8] =	stream.indirect.gather [hbm4b:s3+s10], $0x40, s4, s10, $0xb8;
	[tilespmem:$0x1F400] =	vst v63  }
0x102: {  	_ =	swait.ge [sflag:s0], $0x3200  }
0x103: {  	s23 =	sadd.s32 $0xC80, s24;
	p0 =	seq.s32 s25, $0x17700;
	[sflag:s0] =	ssyncset.done $0x0  }
0x104: {  	s26 =	simm.s32 $0xC800;
	s4 =	simm.s32 @p0 $0x4;
	[sflag:s0] =	ssyncadd.s32 $0xFFFFCE00  }
0x105: {  	[hbm4b:s23+s2] =	stream.linear.scatter [tilespmem:s26], [sflag:$0xB], $0x3200, $0x38;
	[tilespmem:$0x1F400] =	vst v63  }
0x106: {  	_ =	swait.ge @p0 [sflag:s4], $0x3200  }
0x107: {  	s14 =	simm.s32 @p0 $0x0;
	s6 =	simm.s32 @p0 $0x5;
	[sflag:s4] =	ssyncset.done @p0 $0x0  }
0x108: {  	s5 =	rddreg [dreg:$0x5];
	[sflag:s4] =	ssyncadd.s32 @p0 $0xFFFFCE00;
	s4 =	simm.s32 @p0 $0xFA00  }
0x109: {  	[hbm4b:s5+s14] =	stream.linear.scatter @p0 [tilespmem:s4], [sflag:$0xC], $0x3200, $0x38;
	[tilespmem:$0x1F400] =	vst v63  }
0x10a: {  	_ =	swait.ge @p0 [sflag:s6], $0x3200  }
0x10b: {  	s5 =	simm.s32 @p0 $0x12C00;
	[sflag:s6] =	ssyncset.done @p0 $0x0  }
0x10c: {  	s4 =	rddreg [dreg:$0x3];
	[sflag:s6] =	ssyncadd.s32 @p0 $0xFFFFCE00;
	s6 =	simm.s32 @!p0 $0x9  }
0x10d: {  	[hbm4b:s4+s14] =	stream.linear.scatter @p0 [tilespmem:s5], [sflag:$0xD], $0x3200, $0x38;
	[tilespmem:$0x1F400] =	vst v63  }
0x10e: {  	s13 =	simm.s32 @!p0 $0x6400;
	_ =	swait.ge @!p0 [sflag:s6], $0x3200  }
0x10f: {  	s4 =	sshra.s32 @!p0 s25, $0x2;
	s5 =	simm.s32 @!p0 $0x80;
	[sflag:s6] =	ssyncset.done @!p0 $0x0  }
0x110: {  	s7 =	sadd.s32 @!p0 $0x640, s4;
	s9 =	sadd.s32 @!p0 $0x6C0, s4;
	[sflag:s6] =	ssyncadd.s32 @!p0 $0xFFFFCE00  }
0x111: {  	[tilespmem:s13], [sflag:$0x1] =	stream.indirect.gather @!p0 [hbm4b:s3+s5], $0x40, s7, s5, $0xb8;
	[tilespmem:$0x1F400] =	vst v63  }
0x112: {  	s6 =	simm.s32 @!p0 $0x8400;
	s7 =	simm.s32 @!p0 $0x48;
	s13 =	simm.s32 @!p0 $0x4  }
0x113: {  	[tilespmem:s6], [sflag:$0x1] =	stream.indirect.gather @!p0 [hbm4b:s3+s7], $0x40, s9, s7, $0xb8;
	[tilespmem:$0x1F400] =	vst v63  }
0x114: {  	_ =	swait.ge @!p0 [sflag:s13], $0x3200  }
0x115: {  	s15 =	simm.s32 @!p0 $0x0;
	s6 =	simm.s32 @!p0 $0xFA00;
	[sflag:s13] =	ssyncset.done @!p0 $0x0  }
0x116: {  	s9 =	sadd.s32 @!p0 $0x12C0, s24;
	[sflag:s13] =	ssyncadd.s32 @!p0 $0xFFFFCE00;
	s13 =	simm.s32 @!p0 $0xA  }
0x117: {  	[hbm4b:s9+s15] =	stream.linear.scatter @!p0 [tilespmem:s6], [sflag:$0xC], $0x3200, $0x38;
	[tilespmem:$0x1F400] =	vst v63  }
0x118: {  	_ =	swait.ge @!p0 [sflag:s13], $0x3200  }
0x119: {  	[sflag:s13] =	ssyncset.done @!p0 $0x0  }
0x11a: {  	s16 =	simm.s32 @!p0 $0x9600;
	s9 =	sadd.s32 @!p0 $0x708, s4;
	[sflag:s13] =	ssyncadd.s32 @!p0 $0xFFFFCE00  }
0x11b: {  	[tilespmem:s16], [sflag:$0x2] =	stream.indirect.gather @!p0 [hbm4b:s3+s5], $0x40, s9, s5, $0xb8;
	[tilespmem:$0x1F400] =	vst v63  }
0x11c: {  	s13 =	simm.s32 @!p0 $0xB600;
	s9 =	sadd.s32 @!p0 $0x788, s4;
	s16 =	simm.s32 @!p0 $0x5  }
0x11d: {  	[tilespmem:s13], [sflag:$0x2] =	stream.indirect.gather @!p0 [hbm4b:s3+s7], $0x40, s9, s7, $0xb8;
	[tilespmem:$0x1F400] =	vst v63  }
0x11e: {  	_ =	swait.ge @!p0 [sflag:s16], $0x3200  }
0x11f: {  	s9 =	sadd.s32 @!p0 $0x1900, s24;
	[sflag:s16] =	ssyncset.done @!p0 $0x0  }
0x120: {  	s13 =	simm.s32 @!p0 $0x12C00;
	[sflag:s16] =	ssyncadd.s32 @!p0 $0xFFFFCE00;
	s16 =	simm.s32 @!p0 $0xB  }
0x121: {  	[hbm4b:s9+s15] =	stream.linear.scatter @!p0 [tilespmem:s13], [sflag:$0xD], $0x3200, $0x38;
	[tilespmem:$0x1F400] =	vst v63  }
0x122: {  	_ =	swait.ge @!p0 [sflag:s16], $0x3200  }
0x123: {  	[sflag:s16] =	ssyncset.done @!p0 $0x0  }
0x124: {  	s9 =	sadd.s32 @!p0 $0x7D0, s4;
	[sflag:s16] =	ssyncadd.s32 @!p0 $0xFFFFCE00;
	s16 =	simm.s32 @!p0 $0xC800  }
0x125: {  	[tilespmem:s16], [sflag:$0x3] =	stream.indirect.gather @!p0 [hbm4b:s3+s5], $0x40, s9, s5, $0xb8;
	[tilespmem:$0x1F400] =	vst v63  }
0x126: {  	s9 =	sadd.s32 @!p0 $0x850, s4;
	s16 =	simm.s32 @!p0 $0xE800  }
0x127: {  	[tilespmem:s16], [sflag:$0x3] =	stream.indirect.gather @!p0 [hbm4b:s3+s7], $0x40, s9, s7, $0xb8;
	[tilespmem:$0x1F400] =	vst v63  }
0x128: {  	_ =	swait.ge [sflag:s11], $0x3200  }
0x129: {  	[sflag:s11] =	ssyncset.done $0x0  }
0x12a: {  	s28 =	sadd.s32 $0x1F40, s24;
	s16 =	simm.s32 @p0 $0x7;
	[sflag:s11] =	ssyncadd.s32 $0xFFFFCE00  }
0x12b: {  	[hbm4b:s28+s2] =	stream.linear.scatter [tilespmem:s29], [sflag:$0xE], $0x3200, $0x38;
	[tilespmem:$0x1F400] =	vst v63  }
0x12c: {  	_ =	swait.ge @p0 [sflag:s16], $0x3200  }
0x12d: {  	[sflag:s16] =	ssyncset.done @p0 $0x0  }
0x12e: {  	s9 =	rddreg [dreg:$0x4];
	[sflag:s16] =	ssyncadd.s32 @p0 $0xFFFFCE00;
	s16 =	simm.s32 @p0 $0x19000  }
0x12f: {  	[hbm4b:s9+s14] =	stream.linear.scatter @p0 [tilespmem:s16], [sflag:$0xF], $0x3200, $0x38;
	[tilespmem:$0x1F400] =	vst v63  }
0x130: {  	s9 =	simm.s32 @!p0 $0xC  }
0x131: {  	_ =	swait.ge @!p0 [sflag:s9], $0x3200  }
0x132: {  	[sflag:s9] =	ssyncset.done @!p0 $0x0  }
0x133: {  	[sflag:s9] =	ssyncadd.s32 @!p0 $0xFFFFCE00;
	s9 =	sadd.s32 @!p0 $0x898, s4  }
0x134: {  	[tilespmem:s6], [sflag:$0x4] =	stream.indirect.gather @!p0 [hbm4b:s3+s5], $0x40, s9, s5, $0xb8;
	[tilespmem:$0x1F400] =	vst v63  }
0x135: {  	s6 =	sadd.s32 @!p0 $0x918, s4;
	s9 =	simm.s32 @!p0 $0x11A00  }
0x136: {  	[tilespmem:s9], [sflag:$0x4] =	stream.indirect.gather @!p0 [hbm4b:s3+s7], $0x40, s6, s7, $0xb8;
	[tilespmem:$0x1F400] =	vst v63  }
0x137: {  	s6 =	simm.s32 @!p0 $0x7  }
0x138: {  	_ =	swait.ge @!p0 [sflag:s6], $0x3200  }
0x139: {  	[sflag:s6] =	ssyncset.done @!p0 $0x0  }
0x13a: {  	s9 =	sadd.s32 @!p0 $0x2580, s24;
	[sflag:s6] =	ssyncadd.s32 @!p0 $0xFFFFCE00;
	s6 =	simm.s32 @!p0 $0x19000  }
0x13b: {  	[hbm4b:s9+s15] =	stream.linear.scatter @!p0 [tilespmem:s6], [sflag:$0xF], $0x3200, $0x38;
	[tilespmem:$0x1F400] =	vst v63  }
0x13c: {  	s6 =	simm.s32 @!p0 $0xD  }
0x13d: {  	_ =	swait.ge @!p0 [sflag:s6], $0x3200  }
0x13e: {  	[sflag:s6] =	ssyncset.done @!p0 $0x0  }
0x13f: {  	[sflag:s6] =	ssyncadd.s32 @!p0 $0xFFFFCE00;
	s6 =	sadd.s32 @!p0 $0x960, s4  }
0x140: {  	[tilespmem:s13], [sflag:$0x5] =	stream.indirect.gather @!p0 [hbm4b:s3+s5], $0x40, s6, s5, $0xb8;
	[tilespmem:$0x1F400] =	vst v63  }
0x141: {  	s4 =	sadd.s32 @!p0 $0x9E0, s4;
	s5 =	simm.s32 @!p0 $0x14C00  }
0x142: {  	[tilespmem:s5], [sflag:$0x5] =	stream.indirect.gather @!p0 [hbm4b:s3+s7], $0x40, s4, s7, $0xb8;
	[tilespmem:$0x1F400] =	vst v63  }
0x143: {  	_ =	swait.ge [sflag:s12], $0x3200  }
0x144: {  	[sflag:s12] =	ssyncset.done $0x0  }
0x145: {  	s18 =	simm.s32 $0x9;
	s16 =	sadd.s32 $0x2BC0, s24;
	[sflag:s12] =	ssyncadd.s32 $0xFFFFCE00  }
0x146: {  	[hbm4b:s16+s2] =	stream.linear.scatter [tilespmem:s1], [sflag:$0x10], $0x3200, $0x38;
	[tilespmem:$0x1F400] =	vst v63  }
0x147: {  	_ =	swait.ge [sflag:s18], $0x3200  }
0x148: {  	[sflag:s18] =	ssyncset.done $0x0  }
0x149: {  	s19 =	simm.s32 $0xA;
	[sflag:s18] =	ssyncadd.s32 $0xFFFFCE00  }
0x14a: {  	_ =	swait.ge [sflag:s19], $0x3200  }
0x14b: {  	[sflag:s19] =	ssyncset.done $0x0  }
0x14c: {  	s20 =	simm.s32 $0xB;
	[sflag:s19] =	ssyncadd.s32 $0xFFFFCE00  }
0x14d: {  	_ =	swait.ge [sflag:s20], $0x3200  }
0x14e: {  	[sflag:s20] =	ssyncset.done $0x0  }
0x14f: {  	s21 =	simm.s32 $0xC;
	[sflag:s20] =	ssyncadd.s32 $0xFFFFCE00  }
0x150: {  	_ =	swait.ge [sflag:s21], $0x3200  }
0x151: {  	[sflag:s21] =	ssyncset.done $0x0  }
0x152: {  	s22 =	simm.s32 $0xD;
	[sflag:s21] =	ssyncadd.s32 $0xFFFFCE00  }
0x153: {  	_ =	swait.ge [sflag:s22], $0x3200  }
0x154: {  	[sflag:s22] =	ssyncset.done $0x0  }
0x155: {  	s23 =	simm.s32 $0xE;
	[sflag:s22] =	ssyncadd.s32 $0xFFFFCE00  }
0x156: {  	_ =	swait.ge [sflag:s23], $0x3200  }
0x157: {  	[sflag:s23] =	ssyncset.done $0x0  }
0x158: {  	s24 =	simm.s32 $0xF;
	[sflag:s23] =	ssyncadd.s32 $0xFFFFCE00  }
0x159: {  	_ =	swait.ge [sflag:s24], $0x3200  }
0x15a: {  	[sflag:s24] =	ssyncset.done $0x0  }
0x15b: {  	s25 =	simm.s32 $0x10;
	[sflag:s24] =	ssyncadd.s32 $0xFFFFCE00  }
0x15c: {  	_ =	swait.ge [sflag:s25], $0x3200  }
0x15d: {  	s26 =	rddreg [dreg:$0xd]  }
0x15e: {  	s28 =	rddreg [dreg:$0xb];
	s6 =	sadd.s32 $0x1, s26  }
0x15f: {  	p0 =	sne.s32 s6, s28  }
.Ltmp1:
0x160: {  	_ = 	snop;
	(pc) =	sbr.rel @p0 .LBB2_1-.Ltmp1, $3  }
0x161: {  	_ =	sdelay $0x1  }
0x162: {  	[sflag:s25] =	ssyncset.done $0x0  }
0x163: {  	[sflag:s25] =	ssyncadd.s32 $0xFFFFCE00  }
0x164: {  	_ =	sfence.sel $0x180000  }
0x165: {  	[bflag:$0x0] =	sbarrier.arrive $0xFFFF  }
0x166: {  	_ =	strace $0x90000047  }
0x167: {  	s0 =	stileid.u32;
	[bflag:$0x2] =	sbarrier.arrive $0xFFFF  }
0x168: {  	p0 =	sne.s32 s0, $0x0;
	s0 =	rddreg [dreg:$0x2]  }
0x169: {  	s0 =	sadd.s32 @!p0 $0x100000, s0  }
0x16a: {  	[sflag:s0] =	ssyncadd.tile.s32 @!p0 $0x1;
	_ =	shalt  }
.Lfunc_end2:
_tile_overlayer_lowered:
.L_overlay_start_2:
0x16b: {  	(tag) =	ssettag $0x2  }
0x16c: {  	s0 =	rddreg [dreg:$0x0];
	s2 =	stileid.u32  }
0x16d: {  	s1 =	rddreg [dreg:$0x1];
	p0 =	sne.s32 s2, $0x0  }
0x16e: {  	s3 =	rddreg [dreg:$0x2];
	[bflag:$0x3] =	sbarrier.arrive $0xFFFF;
	s2 =	simm.s32 @!p0 $0x1C11  }
0x16f: {  	[timem:s3], [sflag:s2] =	dma.local @!p0 [hbm:s0], s1  }
0x170: {  	s0 =	simm.s32 @!p0 $0x11  }
0x171: {  	_ =	swait.ge @!p0 [sflag:s0], s1  }
0x172: {  	s1 =	ssub.s32 @!p0 $0x0, s1;
	[sflag:s0] =	ssyncset.done @!p0 $0x0  }
0x173: {  	[sflag:s0] =	ssyncadd.s32 @!p0 s1  }
0x174: {  	[bflag:$0x3] =	sbarrier.arrive $0xFFFF  }
0x175: {  	_ =	shalt  }

// kernel: sparse-core-data-format-call.cloned.1.call-start
scs
called_computation_lowered:
.L_overlay_start_0:
0x0: {  	s2 =	sld [smem:$0x3FD9]  }
0x1: {  	s3 =	sld [smem:$0x3FFE];
	_ =	sdelay $0x1  }
0x2: {  	s1 =	srdreg.scid  }
0x3: {  	s0 =	sand.u32 $0x1, s1  }
0x4: {  	s18 =	sshll.u32 s0, $0xA;
	s2 =	sadd.s32 s3, s2  }
0x5: {  	s2 =	sadd.s32 s2, s18  }
0x6: {  	[smem:$0x3FC6] =	sst s2  }
0x7: {  	_ = 	snop  }
0x8: {  	s2 =	sld [smem:$0x3FD0];
	(tm) =	ssettm $0x1  }
0x9: {  	s19 =	sld [smem:$0x3FFB];
	_ =	sdelay $0x3  }
0xa: {  	_ =	strace s19  }
0xb: {  	s3 =	sld [smem:$0x3FFC];
	_ =	sdelay $0x3  }
0xc: {  	_ =	strace s3  }
0xd: {  	s3 =	sld [smem:$0x3FFD];
	_ =	sdelay $0x3  }
0xe: {  	_ =	strace s3  }
0xf: {  	_ =	strace $0x8FFFFFFF  }
0x10: {  	s20 =	sld [smem:$0x3FDB];
	_ =	sdelay $0x1  }
0x11: {  	s4 =	simm.s32 $_scs_section_size  }
0x12: {  	s5 =	simm.s32 $_size__tile_overlayer_lowered;
	s6 =	simm.s32 $_tile_overlayer_lowered  }
0x13: {  	s23 =	simm.s32 $0x1BFF;
	s22 =	sshll.u32 s6, $0x1;
	s3 =	sadd.s32 s4, s20  }
0x14: {  	s7 =	simm.s32 $0x0;
	s21 =	sshll.u32 s5, $0x1;
	s5 =	sadd.s32 s22, s3  }
0x15: {  	[timem:s7], [sflag:s23] =	dma.local [hbm:s5], s21  }
0x16: {  	_ =	swait.ge [sflag:s23], s21  }
0x17: {  	s4 =	ssub.s32 $0x0, s21;
	[sflag:s23] =	ssyncset.done $0x0  }
0x18: {  	[sflag:s23] =	ssyncadd.s32 s4;
	_ =	sdelay $0x1  }
0x19: {  	s24 =	simm.s32 $0x1B8B  }
0x1a: {  	_ =	swait.ge [sflag:s24], $0x1  }
0x1b: {  	[sflag:s24] =	ssyncset.done $0x0  }
0x1c: {  	s26 =	simm.s32 $0x1B8E;
	s25 =	sld [smem:$0x3FFE];
	[sflag:s24] =	ssyncadd.s32 $0xFFFFFFFF  }
0x1d: {  	s27 =	simm.s32 $execute0_lowered;
	[smem:$0x3FD2] =	sst s26  }
0x1e: {  	s5 =	sshll.u32 s27, $0x1;
	_ =	strace $0x80000049;
	[dreg:$0x1] =	wrdreg $0xFFFFFFFF  }
0x1f: {  	s28 =	simm.s32 $_size_execute0_lowered;
	s3 =	sadd.s32 s3, s5;
	[dreg:$0x0] =	wrdreg $0x0  }
0x20: {  	s5 =	sshll.u32 s28, $0x1;
	[dreg:$0x2] =	wrdreg s3  }
0x21: {  	[dreg:$0x3] =	wrdreg s5  }
0x22: {  	[dreg:$0x4] =	wrdreg $0xC0  }
0x23: {  	_ =	task [dreg:s7], $0x5FFFF  }
0x24: {  	[dreg:$0x1] =	wrdreg $0xFFFFFFFF  }
0x25: {  	[dreg:$0x0] =	wrdreg $0x60  }
0x26: {  	[dreg:$0x2] =	wrdreg s25  }
0x27: {  	[dreg:$0x3] =	wrdreg s2  }
0x28: {  	[dreg:$0x4] =	wrdreg $0x9  }
0x29: {  	_ =	task.clear_ibuf [dreg:s7], $0x5FFFF;
	_ =	strace $0x90000049  }
0x2a: {  	s29 =	simm.s32 $0x9;
	_ =	strace $0x8000004B  }
0x2b: {  	_ =	swait.ge [sflag:s29], $0x1  }
0x2c: {  	[sflag:s29] =	ssyncadd.s32 $0xFFFFFFFF  }
0x2d: {  	_ =	strace $0x9000004B  }
0x2e: {  	_ =	sfence  }
0x2f: {  	s30 =	sld [smem:$0x0];
	_ =	sdelay $0x2  }
0x30: {  	s31 =	sshll.u32 s1, $0xD;
	s1 =	sshrl.u32 s1, $0x2  }
0x31: {  	s3 =	sand.u32 $0x4000, s31;
	s1 =	sadd.s32 s1, s30  }
0x32: {  	s0 =	sor.u32 s3, s0;
	s1 =	sshll.u32 s1, $0x11  }
0x33: {  	s0 =	sor.u32 s1, s0  }
0x34: {  	s0 =	sadd.s32 $0x8F2B, s0  }
0x35: {  	[sflag:s0] =	ssyncadd.remote.s32 $0x1  }
0x36: {  	_ =	sfence.sel $0xFFFF  }
0x37: {  	[dreg:$0x0] =	wrdreg $0xFFFFFFFF;
	(pc) =	sbr.abs _section_cstart, $3  }
0x38: {  	[dreg:$0x1] =	wrdreg $0xFFFFFFFF  }
0x39: {  	_ =	task.clear_ibuf [dreg:s7], $0x2FFFF;
	_ =	strace $0x9FFFFFFF  }
0x3a: {  	(tm) =	ssettm $0x7FFFFFFF  }
0x3b: {  	_ =	shalt  }
tec
execute0_lowered:
.L_overlay_start_1:
0x0: {  	(tag) =	ssettag $0x1  }
0x1: {  	s0 =	srdreg.scid  }
0x2: {  	s1 =	sshll.u32 s0, $0x4  }
0x3: {  	s0 =	stileid.u32;
	s1 =	sand.u32 $0x10, s1  }
0x4: {  	s1 =	sor.u32 s0, s1  }
0x5: {  	s6 =	rddreg [dreg:$0x0];
	s4 =	simm.s32 $0x1;
	s2 =	sshll.u32 s1, $0x7  }
0x6: {  	s7 =	simm.s32 $0x2;
	s12 =	simm.s32 $0x0;
	s1 =	ssub.s32 $0x1000, s2  }
0x7: {  	s8 =	simm.s32 $0x8000;
	s13 =	simm.s32 $0x0;
	s3 =	sand.u32 $0xF80, s1  }
0x8: {  	s9 =	simm.s32 $0x0;
	s5 =	sshrl.u32 s1, $0xC;
	p0 =	sne.s32 s3, $0x0  }
.Ltmp0:
0x9: {  	s1 =	rddreg [dreg:$0x2];
	s4 =	simm.s32 @!p0 $0x0;
	(pc) =	sbr.rel .LBB1_1-.Ltmp0, $4  }
0xa: {  	s11 =	simm.s32 $0x0;
	s3 =	rddreg [dreg:$0x1];
	s5 =	sadd.s32 s4, s5  }
0xb: {  	_ =	strace $0x8000004A;
	s4 =	simm.s32 $0x1;
	s5 =	smul.u32 $0xC8, s5  }
0xc: {  	s6 =	sadd.s32 $0xA00, s6;
	s10 =	smov.u32 s2;
	[sflag:s4] =	ssyncpa.u1 $0x0  }
0xd: {  	p0 =	por $0x0, $0x0;
	[sflag:s7] =	ssyncpa.u1 $0x0;
	s7 =	sor.u32 $0x1, s5  }
.LBB1_4:
0xe: {  	s16 =	sshll.u32 s13, $0x3;
	s17 =	sand.u32 $0x78, s13  }
0xf: {  	s30 =	sand.u32 $0x7E00, s13;
	s12 =	sshll.u32 s12, $0xF;
	s16 =	sand.u32 $0xC00, s16  }
0x10: {  	[tilespmem:s15+$0x810 ss:$0x81] =	vst.msk $0xffff, v2;
	s31 =	sand.u32 $0x7, s13;
	s16 =	sor.u32 s17, s16;
	s17 =	sadd.s32 s3, s30  }
0x11: {  	[tilespmem:s15+$0x1020 ss:$0x81] =	vst.msk $0xffff, v0;
	s13 =	sshll.u32 s31, $0x12;
	s12 =	sadd.s32 s12, s17;
	s16 =	sshrl.u32 s16, $0x3  }
0x12: {  	[tilespmem:s15+$0x0 ss:$0x81] =	vst.msk $0xffff, v1;
	s13 =	sor.u32 $0x400, s13;
	s12 =	sadd.s32 s16, s12  }
0x13: {  	[hbm4b:s12+s13] =	stream.strided.scatter [tilespmem:s14], [sflag:$0x2], $0x2000, s8, s13, $0x20;
	[tilespmem:$0x8080] =	vst v63  }
.LBB1_5:
0x14: {  	s14 =	sadd.s32 $0x1, s9  }
0x15: {  	s12 =	sadd.s32 $0x1000, s10;
	s16 =	smov.u32 s10;
	p2 =	sgt.s32 s14, $0xC7  }
0x16: {  	s16 =	smov.u32 @p2 s12  }
0x17: {  	s14 =	simm.s32 @p2 $0x0;
	p2 =	sgt.s32 s16, $0xFFF  }
0x18: {  	s16 =	smov.u32 @p2 s2;
	p2 =	sne.s32 s11, s7  }
.Ltmp1:
0x19: {  	p1 =	slt.u32 s11, $0x2;
	(pc) =	sbr.rel @!p2 .LBB1_6-.Ltmp1, $4  }
0x1a: {  	s15 =	simm.s32 @!p1 $0x2  }
0x1b: {  	s13 =	smov.u32 s10;
	p0 =	por !p0, !p0;
	_ =	swait.ge @!p1 [sflag:s15], $0x2000  }
0x1c: {  	s12 =	smov.u32 s9;
	[sflag:s15] =	ssyncset.done @!p1 $0x0;
	s9 =	smov.u32 s14  }
0x1d: {  	s11 =	sadd.s32 $0x1, s11;
	[sflag:s15] =	ssyncadd.s32 @!p1 $0xFFFFE000;
	s10 =	smov.u32 s16  }
.LBB1_1:
0x1e: {  	p1 =	sge.u32 s11, s5  }
0x1f: {  	s14 =	sand.u32 @!p1 $0x1FFFFFF, s9  }
0x20: {  	s15 =	smulhi.u32 @!p1 $0x147AE15, s14;
	_ =	sdelay $0x1  }
0x21: {  	s15 =	smul.u32 @!p1 $0xC8, s15  }
0x22: {  	s16 =	sxor.u32 @!p1 $0xFFFFFFFF, s11;
	s17 =	smul.u32 @!p1 $0xC80, s10  }
0x23: {  	s31 =	sadd.s32 $0xFFFFFFFF, s11;
	s16 =	sshll.u32 @!p1 s16, $0xD;
	s14 =	ssub.s32 @!p1 s14, s15  }
0x24: {  	s15 =	sand.u32 @!p1 $0x2000, s16;
	s16 =	sadd.s32 @!p1 s6, s17;
	s14 =	sshll.u32 @!p1 s14, $0x4  }
0x25: {  	s17 =	simm.s32 @!p1 $0x6400;
	s14 =	sadd.s32 @!p1 s14, s16;
	s16 =	simm.s32 @!p1 $0x40  }
0x26: {  	[tilespmem:s15], [sflag:$0x1] =	stream.strided.gather @!p1 [hbm4b:s14+s16], $0x2000, s17, s16, $0x38;
	[tilespmem:$0x8080] =	vst v63  }
0x27: {  	p1 =	sge.u32 s31, s5  }
.Ltmp2:
0x28: {  	_ = 	snop;
	(pc) =	sbr.rel @p1 .LBB1_5-.Ltmp2, $1  }
0x29: {  	_ =	sdelay $0x3  }
0x2a: {  	s14 =	simm.s32 $0x1  }
0x2b: {  	_ =	swait.ge [sflag:s4], $0x2000;
	s14 =	simm.s32 @!p0 $0x0  }
0x2c: {  	[sflag:s4] =	ssyncset.done $0x0;
	s15 =	sshll.u32 s14, $0xD  }
0x2d: {  	[sflag:s4] =	ssyncadd.s32 $0xFFFFE000;
	s18 =	sor.u32 $0x20, s15  }
0x2e: {  	s14 =	smul.u32 $0x8100, s14;
	v3 =	vld [tilespmem:s18+$0x10]  }
0x2f: {  	s30 =	sand.u32 $0x1, s11;
	v2 =	vld [tilespmem:s18+$0xFFFFFFF0]  }
0x30: {  	s15 =	smul.u32 $0x8100, s30;
	s14 =	sshrl.u32 s14, $0x2;
	v0 =	vld [tilespmem:s18+$0x0]  }
0x31: {  	v1 =	vld [tilespmem:s18+$0xFFFFFFE0];
	s16 =	sor.u32 $0x4000, s14  }
0x32: {  	s31 =	sshrl.u32 s15, $0x2;
	s15 =	sadd.s32 $0x0, s16  }
0x33: {  	s17 =	simm.s32 $0x4;
	s18 =	sadd.s32 $0x40, s18;
	s14 =	sor.u32 $0x4000, s31;
	[tilespmem:s15+$0x1830 ss:$0x81] =	vst.msk $0xffff, v3  }
.LBB1_3:
0x34: {  	v3 =	vld [tilespmem:s18+$0x10];
	p1 =	sne.s32 s17, $0x1FC;
	[tilespmem:s15+$0x810 ss:$0x81] =	vst.msk $0xffff, v2;
	s19 =	smov.u32 s17;
	s17 =	sadd.s32 $0x4, s17  }
.Ltmp3:
0x35: {  	v2 =	vld [tilespmem:s18+$0xFFFFFFF0];
	[tilespmem:s15+$0x1020 ss:$0x81] =	vst.msk $0xffff, v0;
	(pc) =	sbr.rel @p1 .LBB1_3-.Ltmp3, $4  }
0x36: {  	v0 =	vld [tilespmem:s18+$0x0];
	[tilespmem:s15+$0x0 ss:$0x81] =	vst.msk $0xffff, v1  }
0x37: {  	s15 =	sshra.s32 s19, $0x2;
	v1 =	vld [tilespmem:s18+$0xFFFFFFE0]  }
0x38: {  	s15 =	sadd.s32 s15, s16  }
0x39: {  	s18 =	sadd.s32 $0x40, s18;
	[tilespmem:s15+$0x1830 ss:$0x81] =	vst.msk $0xffff, v3  }
.Ltmp4:
0x3a: {  	_ = 	snop;
	(pc) =	sbr.rel .LBB1_4-.Ltmp4, $1  }
0x3b: {  	_ =	sdelay $0x3  }
.LBB1_6:
0x3c: {  	_ =	sfence.sel $0x180000  }
0x3d: {  	s2 =	simm.s32 $0x1;
	[bflag:$0x0] =	sbarrier.arrive $0xFFFF  }
0x3e: {  	s31 =	simm.s32 $0x2;
	[sflag:s2] =	ssyncpa.u1 $0x1  }
0x3f: {  	[sflag:s31] =	ssyncpa.u1 $0x1  }
0x40: {  	p0 =	sne.s32 s0, $0x0;
	_ =	strace $0x9000004A  }
0x41: {  	s0 =	sadd.s32 @!p0 $0x100000, s1;
	[bflag:$0x2] =	sbarrier.arrive $0xFFFF  }
0x42: {  	[sflag:s0] =	ssyncadd.tile.s32 @!p0 $0x1;
	_ =	shalt  }
.Lfunc_end1:
_tile_overlayer_lowered:
.L_overlay_start_2:
0x43: {  	(tag) =	ssettag $0x2  }
0x44: {  	s0 =	rddreg [dreg:$0x0];
	s2 =	stileid.u32  }
0x45: {  	s1 =	rddreg [dreg:$0x1];
	p0 =	sne.s32 s2, $0x0  }
0x46: {  	s3 =	rddreg [dreg:$0x2];
	[bflag:$0x3] =	sbarrier.arrive $0xFFFF;
	s2 =	simm.s32 @!p0 $0x1C01  }
0x47: {  	[timem:s3], [sflag:s2] =	dma.local @!p0 [hbm:s0], s1  }
0x48: {  	s0 =	simm.s32 @!p0 $0x1  }
0x49: {  	_ =	swait.ge @!p0 [sflag:s0], s1  }
0x4a: {  	s1 =	ssub.s32 @!p0 $0x0, s1;
	[sflag:s0] =	ssyncset.done @!p0 $0x0  }
0x4b: {  	[sflag:s0] =	ssyncadd.s32 @!p0 s1  }
0x4c: {  	[bflag:$0x3] =	sbarrier.arrive $0xFFFF  }
0x4d: {  	_ =	shalt  }

</sc_bundles>
